<compile_context>
chip_gen: v7x
topology: tpu7x:2x2x1
jax: 0.10.2.dev20260603
libtpu: 0.0.44.dev20260713+nightly
codegen_flags: <defaults>
</compile_context>

<pallas_src>
import functools

import jax
import jax.numpy as jnp
from jax import lax
from jax.experimental import pallas as pl
from jax.experimental.pallas import tpu as pltpu
from jax.experimental.pallas import tpu_sc as plsc

_H, _HD, _K = 4, 64, 1024
_TBLK = 512

_NC, _NS = 2, 16
_NW = _NC * _NS
_CH = 128


def _vq_body(x_ref, ea_ref, esq_ref, dist_ref, ind_ref, find_ref):
    iota = jax.lax.broadcasted_iota(jnp.int32, (_TBLK, _K), 1)
    inds, finds = [], []
    for h in range(_H):
        xb = x_ref[:, h * _HD:(h + 1) * _HD]
        xb_aug = jnp.concatenate([xb, xb * xb], axis=1)
        dist = jax.lax.dot_general(
            xb_aug, ea_ref[h], (((1,), (1,)), ((), ())),
            preferred_element_type=jnp.float32)
        dist = dist - esq_ref[h:h + 1, :]
        dist_ref[:, h, :] = dist

        m = jnp.max(dist, axis=1, keepdims=True)
        ind = jnp.min(jnp.where(dist == m, iota, _K), axis=1, keepdims=True)
        inds.append(ind)
        finds.append(ind + h * _K)

    ind_ref[...] = jnp.concatenate(inds, axis=1)
    find_ref[...] = jnp.concatenate(finds, axis=1)


def _gather_quant(table, find_flat, n_rows):
    bpw = n_rows // _NW
    mesh = plsc.VectorSubcoreMesh(core_axis_name="c", subcore_axis_name="s")

    @functools.partial(
        pl.kernel, mesh=mesh,
        out_type=jax.ShapeDtypeStruct((n_rows, 2 * _HD), jnp.float32),
        scratch_types=[
            pltpu.VMEM((_CH,), jnp.int32),
            pltpu.VMEM((_CH, 2 * _HD), jnp.float32),
            pltpu.SemaphoreType.DMA,
        ],
    )
    def k(table_hbm, idx_hbm, out_hbm, idx_v, rows_v, sem):
        wid = lax.axis_index("s") * _NC + lax.axis_index("c")
        for c in range(bpw // _CH):
            base = wid * bpw + c * _CH
            pltpu.sync_copy(idx_hbm.at[pl.ds(base, _CH)], idx_v)
            pltpu.async_copy(table_hbm.at[idx_v], rows_v, sem).wait()
            pltpu.sync_copy(rows_v, out_hbm.at[pl.ds(base, _CH)])

    return k(table, find_flat)


@jax.jit
def kernel(x, x_len, embed):
    B, T, D = x.shape
    BT = B * T
    xf = x.reshape(BT, D)
    n_t = BT // _TBLK
    e_sq = jnp.sum(embed * embed, axis=-1)
    e_aug = jnp.concatenate(
        [embed * 2.0, -jnp.ones_like(embed)], axis=-1)

    dist, ind, find = pl.pallas_call(
        _vq_body,
        grid=(n_t,),
        in_specs=[
            pl.BlockSpec((_TBLK, D), lambda i: (i, 0)),
            pl.BlockSpec((_H, _K, 2 * _HD), lambda i: (0, 0, 0)),
            pl.BlockSpec((_H, _K), lambda i: (0, 0)),
        ],
        out_specs=[
            pl.BlockSpec((_TBLK, _H, _K), lambda i: (i, 0, 0)),
            pl.BlockSpec((_TBLK, _H), lambda i: (i, 0)),
            pl.BlockSpec((_TBLK, _H), lambda i: (i, 0)),
        ],
        out_shape=[
            jax.ShapeDtypeStruct((BT, _H, _K), jnp.float32),
            jax.ShapeDtypeStruct((BT, _H), jnp.int32),
            jax.ShapeDtypeStruct((BT, _H), jnp.int32),
        ],
    )(xf, e_aug, e_sq)

    table = jnp.pad(embed.reshape(_H * _K, _HD), ((0, 0), (0, _HD)))
    quant = _gather_quant(table, find.reshape(BT * _H), BT * _H)[:, :_HD]

    return (quant.reshape(B, T, D),
            ind.reshape(B, T, _H),
            dist.reshape(B, T, _H, _K))

# --- scband reference (transcript-rebuilt; emitter-appended) ---
"""Pipeline reference for scband-multi-head-euclidean-codebook-67302137528710 (READ-ONLY COPY).

The authoritative reference and input builder live on the scoring server;
editing this copy changes nothing except your own understanding.
"""

import jax, jax.numpy as jnp
import numpy as np

B, T, H, HD, K = 16, 1024, 4, 64, 1024
D = H * HD


def setup_inputs(seed: int = 0) -> dict:
    key = jax.random.key(seed)
    k1, k2, k3 = jax.random.split(key, 3)
    x = jax.random.normal(k1, (B, T, D), dtype=jnp.float32)
    x_len = jax.random.randint(k2, (B,), 0, T)
    # per-head codebook parameter (buffer 'embed' in torch): [H, K, HD]
    embed = jax.random.normal(k3, (H, K, HD), dtype=jnp.float32)
    return {"x": x, "x_len": x_len, "embed": embed}


def reference(x, x_len, embed):
    # Multi-head Euclidean codebook quantization (eval-mode forward).
    Bv, Tv, Dv = x.shape
    xr = x.reshape(Bv, Tv, H, HD)
    # negative squared Euclidean distance per head:
    # dist = -(||x||^2 - 2 x.e + ||e||^2)
    x_sq = jnp.sum(xr ** 2, axis=-1, keepdims=True)            # [B,T,H,1]
    e_sq = jnp.sum(embed ** 2, axis=-1)                        # [H,K]
    cross = jnp.einsum('bthd,hkd->bthk', xr, embed)            # [B,T,H,K]
    dist = -(x_sq - 2.0 * cross + e_sq[None, None, :, :])      # [B,T,H,K]
    embed_ind = jnp.argmax(dist, axis=-1)                      # [B,T,H]
    # dequantize: gather codeword per head (embedding lookup)
    head_idx = jnp.arange(H)[None, None, :]                    # [1,1,H]
    quant = embed[head_idx, embed_ind]                         # [B,T,H,HD]
    quantize = quant.reshape(Bv, Tv, Dv)                       # [B,T,D]
    return quantize, embed_ind, dist

if __name__ == "__main__":
    import jax
    _d = setup_inputs()
    print(jax.jit(kernel)(*tuple(_d.values())))

</pallas_src>

<mosaic_0001>
#map = affine_map<(d0, d1) -> (0, 0)>
#map1 = affine_map<(d0, d1) -> (0)>
module attributes {stable_mosaic.version = 14 : i64} {
  func.func @k(%arg0: i32, %arg1: i32, %arg2: memref<4096x128xf32, #tpu.memory_space<hbm>>, %arg3: memref<65536xi32, #tpu.memory_space<hbm>>, %arg4: memref<65536x128xf32, #tpu.memory_space<hbm>>, %arg5: memref<128xi32, #tpu.memory_space<vmem>>, %arg6: memref<128x128xf32, #tpu.memory_space<vmem>>, %arg7: memref<!tpu.dma_semaphore, #tpu.memory_space<semaphore_mem>>) attributes {dimension_semantics = [#tpu.dimension_semantics<core_parallel>, #tpu.dimension_semantics<subcore_parallel>], iteration_bounds = array<i64: 2, 16>, scalar_prefetch = 0 : i64, scratch_operands = 3 : i64, tpu.core_type = #tpu.core_type<sc_vector_subcore>, window_params = [{transform_indices = #map}, {transform_indices = #map1}, {transform_indices = #map}]} {
    %mul3A = arith.constant 2 : i32
    %mul3A_0 = arith.muli %arg1, %mul3A : i32
    %add3A = arith.addi %mul3A_0, %arg0 : i32
    %mul3A_1 = arith.constant 2048 : i32
    %mul3A_2 = arith.muli %add3A, %mul3A_1 : i32
    %add3A_3 = arith.constant 0 : i32
    %add3A_4 = arith.addi %mul3A_2, %add3A_3 : i32
    "tpu.region"() ({
      %run_scoped3A = tpu.sem_alloc : memref<!tpu.dma_semaphore, #tpu.memory_space<semaphore_mem>>
      %dma_start3A_159 = tpu.memref_slice %arg3[%add3A_4] : memref<65536xi32, #tpu.memory_space<hbm>> -> memref<128xi32, #tpu.memory_space<hbm>>
      %dma_start3A_160 = tpu.memref_slice %arg3[%add3A_4] : memref<65536xi32, #tpu.memory_space<hbm>> -> memref<128xi32, #tpu.memory_space<hbm>>
      tpu.enqueue_dma source(%dma_start3A_160 : memref<128xi32, #tpu.memory_space<hbm>>) target(%arg5 : memref<128xi32, #tpu.memory_space<vmem>>) target_semaphore(%run_scoped3A : memref<!tpu.dma_semaphore, #tpu.memory_space<semaphore_mem>>)
      %dma_wait3A_161 = tpu.memref_slice %arg3[%add3A_4] : memref<65536xi32, #tpu.memory_space<hbm>> -> memref<128xi32, #tpu.memory_space<hbm>>
      %dma_wait3A_162 = tpu.memref_slice %arg3[%add3A_4] : memref<65536xi32, #tpu.memory_space<hbm>> -> memref<128xi32, #tpu.memory_space<hbm>>
      tpu.wait_dma2 semaphore(%run_scoped3A : memref<!tpu.dma_semaphore, #tpu.memory_space<semaphore_mem>>) src(%dma_wait3A_162 : memref<128xi32, #tpu.memory_space<hbm>>) dst(%arg5 : memref<128xi32, #tpu.memory_space<vmem>>)
      tpu.yield
    }) : () -> ()
    %dma_start3A = arith.constant 0 : i32
    %dma_start3A_5 = arith.constant 0 : i32
    %dma_start3A_6 = tpu.memref_slice %arg2[%dma_start3A, %dma_start3A_5] : memref<4096x128xf32, #tpu.memory_space<hbm>> -> memref<4096x128xf32, #tpu.memory_space<hbm>>
    tpu.enqueue_indirect_dma source(%dma_start3A_6 : memref<4096x128xf32, #tpu.memory_space<hbm>>) target(%arg6 : memref<128x128xf32, #tpu.memory_space<vmem>>) offsets(%arg5 : memref<128xi32, #tpu.memory_space<vmem>>) semaphore(%arg7 : memref<!tpu.dma_semaphore, #tpu.memory_space<semaphore_mem>>)
    %dma_wait3A = arith.constant 0 : i32
    %dma_wait3A_7 = arith.constant 0 : i32
    %dma_wait3A_8 = tpu.memref_slice %arg2[%dma_wait3A, %dma_wait3A_7] : memref<4096x128xf32, #tpu.memory_space<hbm>> -> memref<4096x128xf32, #tpu.memory_space<hbm>>
    tpu.wait_indirect_dma semaphore(%arg7 : memref<!tpu.dma_semaphore, #tpu.memory_space<semaphore_mem>>) src(%dma_wait3A_8 : memref<4096x128xf32, #tpu.memory_space<hbm>>) dst(%arg6 : memref<128x128xf32, #tpu.memory_space<vmem>>)
    "tpu.region"() ({
      %run_scoped3A = tpu.sem_alloc : memref<!tpu.dma_semaphore, #tpu.memory_space<semaphore_mem>>
      %dma_start3A_159 = arith.constant 0 : i32
      %dma_start3A_160 = tpu.memref_slice %arg4[%add3A_4, %dma_start3A_159] : memref<65536x128xf32, #tpu.memory_space<hbm>> -> memref<128x128xf32, #tpu.memory_space<hbm>>
      %dma_start3A_161 = arith.constant 0 : i32
      %dma_start3A_162 = tpu.memref_slice %arg4[%add3A_4, %dma_start3A_161] : memref<65536x128xf32, #tpu.memory_space<hbm>> -> memref<128x128xf32, #tpu.memory_space<hbm>>
      tpu.enqueue_dma source(%arg6 : memref<128x128xf32, #tpu.memory_space<vmem>>) target(%dma_start3A_162 : memref<128x128xf32, #tpu.memory_space<hbm>>) target_semaphore(%run_scoped3A : memref<!tpu.dma_semaphore, #tpu.memory_space<semaphore_mem>>)
      %dma_wait3A_163 = arith.constant 0 : i32
      %dma_wait3A_164 = tpu.memref_slice %arg4[%add3A_4, %dma_wait3A_163] : memref<65536x128xf32, #tpu.memory_space<hbm>> -> memref<128x128xf32, #tpu.memory_space<hbm>>
      %dma_wait3A_165 = arith.constant 0 : i32
      %dma_wait3A_166 = tpu.memref_slice %arg4[%add3A_4, %dma_wait3A_165] : memref<65536x128xf32, #tpu.memory_space<hbm>> -> memref<128x128xf32, #tpu.memory_space<hbm>>
      tpu.wait_dma2 semaphore(%run_scoped3A : memref<!tpu.dma_semaphore, #tpu.memory_space<semaphore_mem>>) src(%arg6 : memref<128x128xf32, #tpu.memory_space<vmem>>) dst(%dma_wait3A_166 : memref<128x128xf32, #tpu.memory_space<hbm>>)
      tpu.yield
    }) : () -> ()
    %mul3A_9 = arith.constant 2048 : i32
    %mul3A_10 = arith.muli %add3A, %mul3A_9 : i32
    %add3A_11 = arith.constant 128 : i32
    %add3A_12 = arith.addi %mul3A_10, %add3A_11 : i32
    "tpu.region"() ({
      %run_scoped3A = tpu.sem_alloc : memref<!tpu.dma_semaphore, #tpu.memory_space<semaphore_mem>>
      %dma_start3A_159 = tpu.memref_slice %arg3[%add3A_12] : memref<65536xi32, #tpu.memory_space<hbm>> -> memref<128xi32, #tpu.memory_space<hbm>>
      %dma_start3A_160 = tpu.memref_slice %arg3[%add3A_12] : memref<65536xi32, #tpu.memory_space<hbm>> -> memref<128xi32, #tpu.memory_space<hbm>>
      tpu.enqueue_dma source(%dma_start3A_160 : memref<128xi32, #tpu.memory_space<hbm>>) target(%arg5 : memref<128xi32, #tpu.memory_space<vmem>>) target_semaphore(%run_scoped3A : memref<!tpu.dma_semaphore, #tpu.memory_space<semaphore_mem>>)
      %dma_wait3A_161 = tpu.memref_slice %arg3[%add3A_12] : memref<65536xi32, #tpu.memory_space<hbm>> -> memref<128xi32, #tpu.memory_space<hbm>>
      %dma_wait3A_162 = tpu.memref_slice %arg3[%add3A_12] : memref<65536xi32, #tpu.memory_space<hbm>> -> memref<128xi32, #tpu.memory_space<hbm>>
      tpu.wait_dma2 semaphore(%run_scoped3A : memref<!tpu.dma_semaphore, #tpu.memory_space<semaphore_mem>>) src(%dma_wait3A_162 : memref<128xi32, #tpu.memory_space<hbm>>) dst(%arg5 : memref<128xi32, #tpu.memory_space<vmem>>)
      tpu.yield
    }) : () -> ()
    %dma_start3A_13 = arith.constant 0 : i32
    %dma_start3A_14 = arith.constant 0 : i32
    %dma_start3A_15 = tpu.memref_slice %arg2[%dma_start3A_13, %dma_start3A_14] : memref<4096x128xf32, #tpu.memory_space<hbm>> -> memref<4096x128xf32, #tpu.memory_space<hbm>>
    tpu.enqueue_indirect_dma source(%dma_start3A_15 : memref<4096x128xf32, #tpu.memory_space<hbm>>) target(%arg6 : memref<128x128xf32, #tpu.memory_space<vmem>>) offsets(%arg5 : memref<128xi32, #tpu.memory_space<vmem>>) semaphore(%arg7 : memref<!tpu.dma_semaphore, #tpu.memory_space<semaphore_mem>>)
    %dma_wait3A_16 = arith.constant 0 : i32
    %dma_wait3A_17 = arith.constant 0 : i32
    %dma_wait3A_18 = tpu.memref_slice %arg2[%dma_wait3A_16, %dma_wait3A_17] : memref<4096x128xf32, #tpu.memory_space<hbm>> -> memref<4096x128xf32, #tpu.memory_space<hbm>>
    tpu.wait_indirect_dma semaphore(%arg7 : memref<!tpu.dma_semaphore, #tpu.memory_space<semaphore_mem>>) src(%dma_wait3A_18 : memref<4096x128xf32, #tpu.memory_space<hbm>>) dst(%arg6 : memref<128x128xf32, #tpu.memory_space<vmem>>)
    "tpu.region"() ({
      %run_scoped3A = tpu.sem_alloc : memref<!tpu.dma_semaphore, #tpu.memory_space<semaphore_mem>>
      %dma_start3A_159 = arith.constant 0 : i32
      %dma_start3A_160 = tpu.memref_slice %arg4[%add3A_12, %dma_start3A_159] : memref<65536x128xf32, #tpu.memory_space<hbm>> -> memref<128x128xf32, #tpu.memory_space<hbm>>
      %dma_start3A_161 = arith.constant 0 : i32
      %dma_start3A_162 = tpu.memref_slice %arg4[%add3A_12, %dma_start3A_161] : memref<65536x128xf32, #tpu.memory_space<hbm>> -> memref<128x128xf32, #tpu.memory_space<hbm>>
      tpu.enqueue_dma source(%arg6 : memref<128x128xf32, #tpu.memory_space<vmem>>) target(%dma_start3A_162 : memref<128x128xf32, #tpu.memory_space<hbm>>) target_semaphore(%run_scoped3A : memref<!tpu.dma_semaphore, #tpu.memory_space<semaphore_mem>>)
      %dma_wait3A_163 = arith.constant 0 : i32
      %dma_wait3A_164 = tpu.memref_slice %arg4[%add3A_12, %dma_wait3A_163] : memref<65536x128xf32, #tpu.memory_space<hbm>> -> memref<128x128xf32, #tpu.memory_space<hbm>>
      %dma_wait3A_165 = arith.constant 0 : i32
      %dma_wait3A_166 = tpu.memref_slice %arg4[%add3A_12, %dma_wait3A_165] : memref<65536x128xf32, #tpu.memory_space<hbm>> -> memref<128x128xf32, #tpu.memory_space<hbm>>
      tpu.wait_dma2 semaphore(%run_scoped3A : memref<!tpu.dma_semaphore, #tpu.memory_space<semaphore_mem>>) src(%arg6 : memref<128x128xf32, #tpu.memory_space<vmem>>) dst(%dma_wait3A_166 : memref<128x128xf32, #tpu.memory_space<hbm>>)
      tpu.yield
    }) : () -> ()
    %mul3A_19 = arith.constant 2048 : i32
    %mul3A_20 = arith.muli %add3A, %mul3A_19 : i32
    %add3A_21 = arith.constant 256 : i32
    %add3A_22 = arith.addi %mul3A_20, %add3A_21 : i32
    "tpu.region"() ({
      %run_scoped3A = tpu.sem_alloc : memref<!tpu.dma_semaphore, #tpu.memory_space<semaphore_mem>>
      %dma_start3A_159 = tpu.memref_slice %arg3[%add3A_22] : memref<65536xi32, #tpu.memory_space<hbm>> -> memref<128xi32, #tpu.memory_space<hbm>>
      %dma_start3A_160 = tpu.memref_slice %arg3[%add3A_22] : memref<65536xi32, #tpu.memory_space<hbm>> -> memref<128xi32, #tpu.memory_space<hbm>>
      tpu.enqueue_dma source(%dma_start3A_160 : memref<128xi32, #tpu.memory_space<hbm>>) target(%arg5 : memref<128xi32, #tpu.memory_space<vmem>>) target_semaphore(%run_scoped3A : memref<!tpu.dma_semaphore, #tpu.memory_space<semaphore_mem>>)
      %dma_wait3A_161 = tpu.memref_slice %arg3[%add3A_22] : memref<65536xi32, #tpu.memory_space<hbm>> -> memref<128xi32, #tpu.memory_space<hbm>>
      %dma_wait3A_162 = tpu.memref_slice %arg3[%add3A_22] : memref<65536xi32, #tpu.memory_space<hbm>> -> memref<128xi32, #tpu.memory_space<hbm>>
      tpu.wait_dma2 semaphore(%run_scoped3A : memref<!tpu.dma_semaphore, #tpu.memory_space<semaphore_mem>>) src(%dma_wait3A_162 : memref<128xi32, #tpu.memory_space<hbm>>) dst(%arg5 : memref<128xi32, #tpu.memory_space<vmem>>)
      tpu.yield
    }) : () -> ()
    %dma_start3A_23 = arith.constant 0 : i32
    %dma_start3A_24 = arith.constant 0 : i32
    %dma_start3A_25 = tpu.memref_slice %arg2[%dma_start3A_23, %dma_start3A_24] : memref<4096x128xf32, #tpu.memory_space<hbm>> -> memref<4096x128xf32, #tpu.memory_space<hbm>>
    tpu.enqueue_indirect_dma source(%dma_start3A_25 : memref<4096x128xf32, #tpu.memory_space<hbm>>) target(%arg6 : memref<128x128xf32, #tpu.memory_space<vmem>>) offsets(%arg5 : memref<128xi32, #tpu.memory_space<vmem>>) semaphore(%arg7 : memref<!tpu.dma_semaphore, #tpu.memory_space<semaphore_mem>>)
    %dma_wait3A_26 = arith.constant 0 : i32
    %dma_wait3A_27 = arith.constant 0 : i32
    %dma_wait3A_28 = tpu.memref_slice %arg2[%dma_wait3A_26, %dma_wait3A_27] : memref<4096x128xf32, #tpu.memory_space<hbm>> -> memref<4096x128xf32, #tpu.memory_space<hbm>>
    tpu.wait_indirect_dma semaphore(%arg7 : memref<!tpu.dma_semaphore, #tpu.memory_space<semaphore_mem>>) src(%dma_wait3A_28 : memref<4096x128xf32, #tpu.memory_space<hbm>>) dst(%arg6 : memref<128x128xf32, #tpu.memory_space<vmem>>)
    "tpu.region"() ({
      %run_scoped3A = tpu.sem_alloc : memref<!tpu.dma_semaphore, #tpu.memory_space<semaphore_mem>>
      %dma_start3A_159 = arith.constant 0 : i32
      %dma_start3A_160 = tpu.memref_slice %arg4[%add3A_22, %dma_start3A_159] : memref<65536x128xf32, #tpu.memory_space<hbm>> -> memref<128x128xf32, #tpu.memory_space<hbm>>
      %dma_start3A_161 = arith.constant 0 : i32
      %dma_start3A_162 = tpu.memref_slice %arg4[%add3A_22, %dma_start3A_161] : memref<65536x128xf32, #tpu.memory_space<hbm>> -> memref<128x128xf32, #tpu.memory_space<hbm>>
      tpu.enqueue_dma source(%arg6 : memref<128x128xf32, #tpu.memory_space<vmem>>) target(%dma_start3A_162 : memref<128x128xf32, #tpu.memory_space<hbm>>) target_semaphore(%run_scoped3A : memref<!tpu.dma_semaphore, #tpu.memory_space<semaphore_mem>>)
      %dma_wait3A_163 = arith.constant 0 : i32
      %dma_wait3A_164 = tpu.memref_slice %arg4[%add3A_22, %dma_wait3A_163] : memref<65536x128xf32, #tpu.memory_space<hbm>> -> memref<128x128xf32, #tpu.memory_space<hbm>>
      %dma_wait3A_165 = arith.constant 0 : i32
      %dma_wait3A_166 = tpu.memref_slice %arg4[%add3A_22, %dma_wait3A_165] : memref<65536x128xf32, #tpu.memory_space<hbm>> -> memref<128x128xf32, #tpu.memory_space<hbm>>
      tpu.wait_dma2 semaphore(%run_scoped3A : memref<!tpu.dma_semaphore, #tpu.memory_space<semaphore_mem>>) src(%arg6 : memref<128x128xf32, #tpu.memory_space<vmem>>) dst(%dma_wait3A_166 : memref<128x128xf32, #tpu.memory_space<hbm>>)
      tpu.yield
    }) : () -> ()
    %mul3A_29 = arith.constant 2048 : i32
    %mul3A_30 = arith.muli %add3A, %mul3A_29 : i32
    %add3A_31 = arith.constant 384 : i32
    %add3A_32 = arith.addi %mul3A_30, %add3A_31 : i32
    "tpu.region"() ({
      %run_scoped3A = tpu.sem_alloc : memref<!tpu.dma_semaphore, #tpu.memory_space<semaphore_mem>>
      %dma_start3A_159 = tpu.memref_slice %arg3[%add3A_32] : memref<65536xi32, #tpu.memory_space<hbm>> -> memref<128xi32, #tpu.memory_space<hbm>>
      %dma_start3A_160 = tpu.memref_slice %arg3[%add3A_32] : memref<65536xi32, #tpu.memory_space<hbm>> -> memref<128xi32, #tpu.memory_space<hbm>>
      tpu.enqueue_dma source(%dma_start3A_160 : memref<128xi32, #tpu.memory_space<hbm>>) target(%arg5 : memref<128xi32, #tpu.memory_space<vmem>>) target_semaphore(%run_scoped3A : memref<!tpu.dma_semaphore, #tpu.memory_space<semaphore_mem>>)
      %dma_wait3A_161 = tpu.memref_slice %arg3[%add3A_32] : memref<65536xi32, #tpu.memory_space<hbm>> -> memref<128xi32, #tpu.memory_space<hbm>>
      %dma_wait3A_162 = tpu.memref_slice %arg3[%add3A_32] : memref<65536xi32, #tpu.memory_space<hbm>> -> memref<128xi32, #tpu.memory_space<hbm>>
      tpu.wait_dma2 semaphore(%run_scoped3A : memref<!tpu.dma_semaphore, #tpu.memory_space<semaphore_mem>>) src(%dma_wait3A_162 : memref<128xi32, #tpu.memory_space<hbm>>) dst(%arg5 : memref<128xi32, #tpu.memory_space<vmem>>)
      tpu.yield
    }) : () -> ()
    %dma_start3A_33 = arith.constant 0 : i32
    %dma_start3A_34 = arith.constant 0 : i32
    %dma_start3A_35 = tpu.memref_slice %arg2[%dma_start3A_33, %dma_start3A_34] : memref<4096x128xf32, #tpu.memory_space<hbm>> -> memref<4096x128xf32, #tpu.memory_space<hbm>>
    tpu.enqueue_indirect_dma source(%dma_start3A_35 : memref<4096x128xf32, #tpu.memory_space<hbm>>) target(%arg6 : memref<128x128xf32, #tpu.memory_space<vmem>>) offsets(%arg5 : memref<128xi32, #tpu.memory_space<vmem>>) semaphore(%arg7 : memref<!tpu.dma_semaphore, #tpu.memory_space<semaphore_mem>>)
    %dma_wait3A_36 = arith.constant 0 : i32
    %dma_wait3A_37 = arith.constant 0 : i32
    %dma_wait3A_38 = tpu.memref_slice %arg2[%dma_wait3A_36, %dma_wait3A_37] : memref<4096x128xf32, #tpu.memory_space<hbm>> -> memref<4096x128xf32, #tpu.memory_space<hbm>>
    tpu.wait_indirect_dma semaphore(%arg7 : memref<!tpu.dma_semaphore, #tpu.memory_space<semaphore_mem>>) src(%dma_wait3A_38 : memref<4096x128xf32, #tpu.memory_space<hbm>>) dst(%arg6 : memref<128x128xf32, #tpu.memory_space<vmem>>)
    "tpu.region"() ({
      %run_scoped3A = tpu.sem_alloc : memref<!tpu.dma_semaphore, #tpu.memory_space<semaphore_mem>>
      %dma_start3A_159 = arith.constant 0 : i32
      %dma_start3A_160 = tpu.memref_slice %arg4[%add3A_32, %dma_start3A_159] : memref<65536x128xf32, #tpu.memory_space<hbm>> -> memref<128x128xf32, #tpu.memory_space<hbm>>
      %dma_start3A_161 = arith.constant 0 : i32
      %dma_start3A_162 = tpu.memref_slice %arg4[%add3A_32, %dma_start3A_161] : memref<65536x128xf32, #tpu.memory_space<hbm>> -> memref<128x128xf32, #tpu.memory_space<hbm>>
      tpu.enqueue_dma source(%arg6 : memref<128x128xf32, #tpu.memory_space<vmem>>) target(%dma_start3A_162 : memref<128x128xf32, #tpu.memory_space<hbm>>) target_semaphore(%run_scoped3A : memref<!tpu.dma_semaphore, #tpu.memory_space<semaphore_mem>>)
      %dma_wait3A_163 = arith.constant 0 : i32
      %dma_wait3A_164 = tpu.memref_slice %arg4[%add3A_32, %dma_wait3A_163] : memref<65536x128xf32, #tpu.memory_space<hbm>> -> memref<128x128xf32, #tpu.memory_space<hbm>>
      %dma_wait3A_165 = arith.constant 0 : i32
      %dma_wait3A_166 = tpu.memref_slice %arg4[%add3A_32, %dma_wait3A_165] : memref<65536x128xf32, #tpu.memory_space<hbm>> -> memref<128x128xf32, #tpu.memory_space<hbm>>
      tpu.wait_dma2 semaphore(%run_scoped3A : memref<!tpu.dma_semaphore, #tpu.memory_space<semaphore_mem>>) src(%arg6 : memref<128x128xf32, #tpu.memory_space<vmem>>) dst(%dma_wait3A_166 : memref<128x128xf32, #tpu.memory_space<hbm>>)
      tpu.yield
    }) : () -> ()
    %mul3A_39 = arith.constant 2048 : i32
    %mul3A_40 = arith.muli %add3A, %mul3A_39 : i32
    %add3A_41 = arith.constant 512 : i32
    %add3A_42 = arith.addi %mul3A_40, %add3A_41 : i32
    "tpu.region"() ({
      %run_scoped3A = tpu.sem_alloc : memref<!tpu.dma_semaphore, #tpu.memory_space<semaphore_mem>>
      %dma_start3A_159 = tpu.memref_slice %arg3[%add3A_42] : memref<65536xi32, #tpu.memory_space<hbm>> -> memref<128xi32, #tpu.memory_space<hbm>>
      %dma_start3A_160 = tpu.memref_slice %arg3[%add3A_42] : memref<65536xi32, #tpu.memory_space<hbm>> -> memref<128xi32, #tpu.memory_space<hbm>>
      tpu.enqueue_dma source(%dma_start3A_160 : memref<128xi32, #tpu.memory_space<hbm>>) target(%arg5 : memref<128xi32, #tpu.memory_space<vmem>>) target_semaphore(%run_scoped3A : memref<!tpu.dma_semaphore, #tpu.memory_space<semaphore_mem>>)
      %dma_wait3A_161 = tpu.memref_slice %arg3[%add3A_42] : memref<65536xi32, #tpu.memory_space<hbm>> -> memref<128xi32, #tpu.memory_space<hbm>>
      %dma_wait3A_162 = tpu.memref_slice %arg3[%add3A_42] : memref<65536xi32, #tpu.memory_space<hbm>> -> memref<128xi32, #tpu.memory_space<hbm>>
      tpu.wait_dma2 semaphore(%run_scoped3A : memref<!tpu.dma_semaphore, #tpu.memory_space<semaphore_mem>>) src(%dma_wait3A_162 : memref<128xi32, #tpu.memory_space<hbm>>) dst(%arg5 : memref<128xi32, #tpu.memory_space<vmem>>)
      tpu.yield
    }) : () -> ()
    %dma_start3A_43 = arith.constant 0 : i32
    %dma_start3A_44 = arith.constant 0 : i32
    %dma_start3A_45 = tpu.memref_slice %arg2[%dma_start3A_43, %dma_start3A_44] : memref<4096x128xf32, #tpu.memory_space<hbm>> -> memref<4096x128xf32, #tpu.memory_space<hbm>>
    tpu.enqueue_indirect_dma source(%dma_start3A_45 : memref<4096x128xf32, #tpu.memory_space<hbm>>) target(%arg6 : memref<128x128xf32, #tpu.memory_space<vmem>>) offsets(%arg5 : memref<128xi32, #tpu.memory_space<vmem>>) semaphore(%arg7 : memref<!tpu.dma_semaphore, #tpu.memory_space<semaphore_mem>>)
    %dma_wait3A_46 = arith.constant 0 : i32
    %dma_wait3A_47 = arith.constant 0 : i32
    %dma_wait3A_48 = tpu.memref_slice %arg2[%dma_wait3A_46, %dma_wait3A_47] : memref<4096x128xf32, #tpu.memory_space<hbm>> -> memref<4096x128xf32, #tpu.memory_space<hbm>>
    tpu.wait_indirect_dma semaphore(%arg7 : memref<!tpu.dma_semaphore, #tpu.memory_space<semaphore_mem>>) src(%dma_wait3A_48 : memref<4096x128xf32, #tpu.memory_space<hbm>>) dst(%arg6 : memref<128x128xf32, #tpu.memory_space<vmem>>)
    "tpu.region"() ({
      %run_scoped3A = tpu.sem_alloc : memref<!tpu.dma_semaphore, #tpu.memory_space<semaphore_mem>>
      %dma_start3A_159 = arith.constant 0 : i32
      %dma_start3A_160 = tpu.memref_slice %arg4[%add3A_42, %dma_start3A_159] : memref<65536x128xf32, #tpu.memory_space<hbm>> -> memref<128x128xf32, #tpu.memory_space<hbm>>
      %dma_start3A_161 = arith.constant 0 : i32
      %dma_start3A_162 = tpu.memref_slice %arg4[%add3A_42, %dma_start3A_161] : memref<65536x128xf32, #tpu.memory_space<hbm>> -> memref<128x128xf32, #tpu.memory_space<hbm>>
      tpu.enqueue_dma source(%arg6 : memref<128x128xf32, #tpu.memory_space<vmem>>) target(%dma_start3A_162 : memref<128x128xf32, #tpu.memory_space<hbm>>) target_semaphore(%run_scoped3A : memref<!tpu.dma_semaphore, #tpu.memory_space<semaphore_mem>>)
      %dma_wait3A_163 = arith.constant 0 : i32
      %dma_wait3A_164 = tpu.memref_slice %arg4[%add3A_42, %dma_wait3A_163] : memref<65536x128xf32, #tpu.memory_space<hbm>> -> memref<128x128xf32, #tpu.memory_space<hbm>>
      %dma_wait3A_165 = arith.constant 0 : i32
      %dma_wait3A_166 = tpu.memref_slice %arg4[%add3A_42, %dma_wait3A_165] : memref<65536x128xf32, #tpu.memory_space<hbm>> -> memref<128x128xf32, #tpu.memory_space<hbm>>
      tpu.wait_dma2 semaphore(%run_scoped3A : memref<!tpu.dma_semaphore, #tpu.memory_space<semaphore_mem>>) src(%arg6 : memref<128x128xf32, #tpu.memory_space<vmem>>) dst(%dma_wait3A_166 : memref<128x128xf32, #tpu.memory_space<hbm>>)
      tpu.yield
    }) : () -> ()
    %mul3A_49 = arith.constant 2048 : i32
    %mul3A_50 = arith.muli %add3A, %mul3A_49 : i32
    %add3A_51 = arith.constant 640 : i32
    %add3A_52 = arith.addi %mul3A_50, %add3A_51 : i32
    "tpu.region"() ({
      %run_scoped3A = tpu.sem_alloc : memref<!tpu.dma_semaphore, #tpu.memory_space<semaphore_mem>>
      %dma_start3A_159 = tpu.memref_slice %arg3[%add3A_52] : memref<65536xi32, #tpu.memory_space<hbm>> -> memref<128xi32, #tpu.memory_space<hbm>>
      %dma_start3A_160 = tpu.memref_slice %arg3[%add3A_52] : memref<65536xi32, #tpu.memory_space<hbm>> -> memref<128xi32, #tpu.memory_space<hbm>>
      tpu.enqueue_dma source(%dma_start3A_160 : memref<128xi32, #tpu.memory_space<hbm>>) target(%arg5 : memref<128xi32, #tpu.memory_space<vmem>>) target_semaphore(%run_scoped3A : memref<!tpu.dma_semaphore, #tpu.memory_space<semaphore_mem>>)
      %dma_wait3A_161 = tpu.memref_slice %arg3[%add3A_52] : memref<65536xi32, #tpu.memory_space<hbm>> -> memref<128xi32, #tpu.memory_space<hbm>>
      %dma_wait3A_162 = tpu.memref_slice %arg3[%add3A_52] : memref<65536xi32, #tpu.memory_space<hbm>> -> memref<128xi32, #tpu.memory_space<hbm>>
      tpu.wait_dma2 semaphore(%run_scoped3A : memref<!tpu.dma_semaphore, #tpu.memory_space<semaphore_mem>>) src(%dma_wait3A_162 : memref<128xi32, #tpu.memory_space<hbm>>) dst(%arg5 : memref<128xi32, #tpu.memory_space<vmem>>)
      tpu.yield
    }) : () -> ()
    %dma_start3A_53 = arith.constant 0 : i32
    %dma_start3A_54 = arith.constant 0 : i32
    %dma_start3A_55 = tpu.memref_slice %arg2[%dma_start3A_53, %dma_start3A_54] : memref<4096x128xf32, #tpu.memory_space<hbm>> -> memref<4096x128xf32, #tpu.memory_space<hbm>>
    tpu.enqueue_indirect_dma source(%dma_start3A_55 : memref<4096x128xf32, #tpu.memory_space<hbm>>) target(%arg6 : memref<128x128xf32, #tpu.memory_space<vmem>>) offsets(%arg5 : memref<128xi32, #tpu.memory_space<vmem>>) semaphore(%arg7 : memref<!tpu.dma_semaphore, #tpu.memory_space<semaphore_mem>>)
    %dma_wait3A_56 = arith.constant 0 : i32
    %dma_wait3A_57 = arith.constant 0 : i32
    %dma_wait3A_58 = tpu.memref_slice %arg2[%dma_wait3A_56, %dma_wait3A_57] : memref<4096x128xf32, #tpu.memory_space<hbm>> -> memref<4096x128xf32, #tpu.memory_space<hbm>>
    tpu.wait_indirect_dma semaphore(%arg7 : memref<!tpu.dma_semaphore, #tpu.memory_space<semaphore_mem>>) src(%dma_wait3A_58 : memref<4096x128xf32, #tpu.memory_space<hbm>>) dst(%arg6 : memref<128x128xf32, #tpu.memory_space<vmem>>)
    "tpu.region"() ({
      %run_scoped3A = tpu.sem_alloc : memref<!tpu.dma_semaphore, #tpu.memory_space<semaphore_mem>>
      %dma_start3A_159 = arith.constant 0 : i32
      %dma_start3A_160 = tpu.memref_slice %arg4[%add3A_52, %dma_start3A_159] : memref<65536x128xf32, #tpu.memory_space<hbm>> -> memref<128x128xf32, #tpu.memory_space<hbm>>
      %dma_start3A_161 = arith.constant 0 : i32
      %dma_start3A_162 = tpu.memref_slice %arg4[%add3A_52, %dma_start3A_161] : memref<65536x128xf32, #tpu.memory_space<hbm>> -> memref<128x128xf32, #tpu.memory_space<hbm>>
      tpu.enqueue_dma source(%arg6 : memref<128x128xf32, #tpu.memory_space<vmem>>) target(%dma_start3A_162 : memref<128x128xf32, #tpu.memory_space<hbm>>) target_semaphore(%run_scoped3A : memref<!tpu.dma_semaphore, #tpu.memory_space<semaphore_mem>>)
      %dma_wait3A_163 = arith.constant 0 : i32
      %dma_wait3A_164 = tpu.memref_slice %arg4[%add3A_52, %dma_wait3A_163] : memref<65536x128xf32, #tpu.memory_space<hbm>> -> memref<128x128xf32, #tpu.memory_space<hbm>>
      %dma_wait3A_165 = arith.constant 0 : i32
      %dma_wait3A_166 = tpu.memref_slice %arg4[%add3A_52, %dma_wait3A_165] : memref<65536x128xf32, #tpu.memory_space<hbm>> -> memref<128x128xf32, #tpu.memory_space<hbm>>
      tpu.wait_dma2 semaphore(%run_scoped3A : memref<!tpu.dma_semaphore, #tpu.memory_space<semaphore_mem>>) src(%arg6 : memref<128x128xf32, #tpu.memory_space<vmem>>) dst(%dma_wait3A_166 : memref<128x128xf32, #tpu.memory_space<hbm>>)
      tpu.yield
    }) : () -> ()
    %mul3A_59 = arith.constant 2048 : i32
    %mul3A_60 = arith.muli %add3A, %mul3A_59 : i32
    %add3A_61 = arith.constant 768 : i32
    %add3A_62 = arith.addi %mul3A_60, %add3A_61 : i32
    "tpu.region"() ({
      %run_scoped3A = tpu.sem_alloc : memref<!tpu.dma_semaphore, #tpu.memory_space<semaphore_mem>>
      %dma_start3A_159 = tpu.memref_slice %arg3[%add3A_62] : memref<65536xi32, #tpu.memory_space<hbm>> -> memref<128xi32, #tpu.memory_space<hbm>>
      %dma_start3A_160 = tpu.memref_slice %arg3[%add3A_62] : memref<65536xi32, #tpu.memory_space<hbm>> -> memref<128xi32, #tpu.memory_space<hbm>>
      tpu.enqueue_dma source(%dma_start3A_160 : memref<128xi32, #tpu.memory_space<hbm>>) target(%arg5 : memref<128xi32, #tpu.memory_space<vmem>>) target_semaphore(%run_scoped3A : memref<!tpu.dma_semaphore, #tpu.memory_space<semaphore_mem>>)
      %dma_wait3A_161 = tpu.memref_slice %arg3[%add3A_62] : memref<65536xi32, #tpu.memory_space<hbm>> -> memref<128xi32, #tpu.memory_space<hbm>>
      %dma_wait3A_162 = tpu.memref_slice %arg3[%add3A_62] : memref<65536xi32, #tpu.memory_space<hbm>> -> memref<128xi32, #tpu.memory_space<hbm>>
      tpu.wait_dma2 semaphore(%run_scoped3A : memref<!tpu.dma_semaphore, #tpu.memory_space<semaphore_mem>>) src(%dma_wait3A_162 : memref<128xi32, #tpu.memory_space<hbm>>) dst(%arg5 : memref<128xi32, #tpu.memory_space<vmem>>)
      tpu.yield
    }) : () -> ()
    %dma_start3A_63 = arith.constant 0 : i32
    %dma_start3A_64 = arith.constant 0 : i32
    %dma_start3A_65 = tpu.memref_slice %arg2[%dma_start3A_63, %dma_start3A_64] : memref<4096x128xf32, #tpu.memory_space<hbm>> -> memref<4096x128xf32, #tpu.memory_space<hbm>>
    tpu.enqueue_indirect_dma source(%dma_start3A_65 : memref<4096x128xf32, #tpu.memory_space<hbm>>) target(%arg6 : memref<128x128xf32, #tpu.memory_space<vmem>>) offsets(%arg5 : memref<128xi32, #tpu.memory_space<vmem>>) semaphore(%arg7 : memref<!tpu.dma_semaphore, #tpu.memory_space<semaphore_mem>>)
    %dma_wait3A_66 = arith.constant 0 : i32
    %dma_wait3A_67 = arith.constant 0 : i32
    %dma_wait3A_68 = tpu.memref_slice %arg2[%dma_wait3A_66, %dma_wait3A_67] : memref<4096x128xf32, #tpu.memory_space<hbm>> -> memref<4096x128xf32, #tpu.memory_space<hbm>>
    tpu.wait_indirect_dma semaphore(%arg7 : memref<!tpu.dma_semaphore, #tpu.memory_space<semaphore_mem>>) src(%dma_wait3A_68 : memref<4096x128xf32, #tpu.memory_space<hbm>>) dst(%arg6 : memref<128x128xf32, #tpu.memory_space<vmem>>)
    "tpu.region"() ({
      %run_scoped3A = tpu.sem_alloc : memref<!tpu.dma_semaphore, #tpu.memory_space<semaphore_mem>>
      %dma_start3A_159 = arith.constant 0 : i32
      %dma_start3A_160 = tpu.memref_slice %arg4[%add3A_62, %dma_start3A_159] : memref<65536x128xf32, #tpu.memory_space<hbm>> -> memref<128x128xf32, #tpu.memory_space<hbm>>
      %dma_start3A_161 = arith.constant 0 : i32
      %dma_start3A_162 = tpu.memref_slice %arg4[%add3A_62, %dma_start3A_161] : memref<65536x128xf32, #tpu.memory_space<hbm>> -> memref<128x128xf32, #tpu.memory_space<hbm>>
      tpu.enqueue_dma source(%arg6 : memref<128x128xf32, #tpu.memory_space<vmem>>) target(%dma_start3A_162 : memref<128x128xf32, #tpu.memory_space<hbm>>) target_semaphore(%run_scoped3A : memref<!tpu.dma_semaphore, #tpu.memory_space<semaphore_mem>>)
      %dma_wait3A_163 = arith.constant 0 : i32
      %dma_wait3A_164 = tpu.memref_slice %arg4[%add3A_62, %dma_wait3A_163] : memref<65536x128xf32, #tpu.memory_space<hbm>> -> memref<128x128xf32, #tpu.memory_space<hbm>>
      %dma_wait3A_165 = arith.constant 0 : i32
      %dma_wait3A_166 = tpu.memref_slice %arg4[%add3A_62, %dma_wait3A_165] : memref<65536x128xf32, #tpu.memory_space<hbm>> -> memref<128x128xf32, #tpu.memory_space<hbm>>
      tpu.wait_dma2 semaphore(%run_scoped3A : memref<!tpu.dma_semaphore, #tpu.memory_space<semaphore_mem>>) src(%arg6 : memref<128x128xf32, #tpu.memory_space<vmem>>) dst(%dma_wait3A_166 : memref<128x128xf32, #tpu.memory_space<hbm>>)
      tpu.yield
    }) : () -> ()
    %mul3A_69 = arith.constant 2048 : i32
    %mul3A_70 = arith.muli %add3A, %mul3A_69 : i32
    %add3A_71 = arith.constant 896 : i32
    %add3A_72 = arith.addi %mul3A_70, %add3A_71 : i32
    "tpu.region"() ({
      %run_scoped3A = tpu.sem_alloc : memref<!tpu.dma_semaphore, #tpu.memory_space<semaphore_mem>>
      %dma_start3A_159 = tpu.memref_slice %arg3[%add3A_72] : memref<65536xi32, #tpu.memory_space<hbm>> -> memref<128xi32, #tpu.memory_space<hbm>>
      %dma_start3A_160 = tpu.memref_slice %arg3[%add3A_72] : memref<65536xi32, #tpu.memory_space<hbm>> -> memref<128xi32, #tpu.memory_space<hbm>>
      tpu.enqueue_dma source(%dma_start3A_160 : memref<128xi32, #tpu.memory_space<hbm>>) target(%arg5 : memref<128xi32, #tpu.memory_space<vmem>>) target_semaphore(%run_scoped3A : memref<!tpu.dma_semaphore, #tpu.memory_space<semaphore_mem>>)
      %dma_wait3A_161 = tpu.memref_slice %arg3[%add3A_72] : memref<65536xi32, #tpu.memory_space<hbm>> -> memref<128xi32, #tpu.memory_space<hbm>>
      %dma_wait3A_162 = tpu.memref_slice %arg3[%add3A_72] : memref<65536xi32, #tpu.memory_space<hbm>> -> memref<128xi32, #tpu.memory_space<hbm>>
      tpu.wait_dma2 semaphore(%run_scoped3A : memref<!tpu.dma_semaphore, #tpu.memory_space<semaphore_mem>>) src(%dma_wait3A_162 : memref<128xi32, #tpu.memory_space<hbm>>) dst(%arg5 : memref<128xi32, #tpu.memory_space<vmem>>)
      tpu.yield
    }) : () -> ()
    %dma_start3A_73 = arith.constant 0 : i32
    %dma_start3A_74 = arith.constant 0 : i32
    %dma_start3A_75 = tpu.memref_slice %arg2[%dma_start3A_73, %dma_start3A_74] : memref<4096x128xf32, #tpu.memory_space<hbm>> -> memref<4096x128xf32, #tpu.memory_space<hbm>>
    tpu.enqueue_indirect_dma source(%dma_start3A_75 : memref<4096x128xf32, #tpu.memory_space<hbm>>) target(%arg6 : memref<128x128xf32, #tpu.memory_space<vmem>>) offsets(%arg5 : memref<128xi32, #tpu.memory_space<vmem>>) semaphore(%arg7 : memref<!tpu.dma_semaphore, #tpu.memory_space<semaphore_mem>>)
    %dma_wait3A_76 = arith.constant 0 : i32
    %dma_wait3A_77 = arith.constant 0 : i32
    %dma_wait3A_78 = tpu.memref_slice %arg2[%dma_wait3A_76, %dma_wait3A_77] : memref<4096x128xf32, #tpu.memory_space<hbm>> -> memref<4096x128xf32, #tpu.memory_space<hbm>>
    tpu.wait_indirect_dma semaphore(%arg7 : memref<!tpu.dma_semaphore, #tpu.memory_space<semaphore_mem>>) src(%dma_wait3A_78 : memref<4096x128xf32, #tpu.memory_space<hbm>>) dst(%arg6 : memref<128x128xf32, #tpu.memory_space<vmem>>)
    "tpu.region"() ({
      %run_scoped3A = tpu.sem_alloc : memref<!tpu.dma_semaphore, #tpu.memory_space<semaphore_mem>>
      %dma_start3A_159 = arith.constant 0 : i32
      %dma_start3A_160 = tpu.memref_slice %arg4[%add3A_72, %dma_start3A_159] : memref<65536x128xf32, #tpu.memory_space<hbm>> -> memref<128x128xf32, #tpu.memory_space<hbm>>
      %dma_start3A_161 = arith.constant 0 : i32
      %dma_start3A_162 = tpu.memref_slice %arg4[%add3A_72, %dma_start3A_161] : memref<65536x128xf32, #tpu.memory_space<hbm>> -> memref<128x128xf32, #tpu.memory_space<hbm>>
      tpu.enqueue_dma source(%arg6 : memref<128x128xf32, #tpu.memory_space<vmem>>) target(%dma_start3A_162 : memref<128x128xf32, #tpu.memory_space<hbm>>) target_semaphore(%run_scoped3A : memref<!tpu.dma_semaphore, #tpu.memory_space<semaphore_mem>>)
      %dma_wait3A_163 = arith.constant 0 : i32
      %dma_wait3A_164 = tpu.memref_slice %arg4[%add3A_72, %dma_wait3A_163] : memref<65536x128xf32, #tpu.memory_space<hbm>> -> memref<128x128xf32, #tpu.memory_space<hbm>>
      %dma_wait3A_165 = arith.constant 0 : i32
      %dma_wait3A_166 = tpu.memref_slice %arg4[%add3A_72, %dma_wait3A_165] : memref<65536x128xf32, #tpu.memory_space<hbm>> -> memref<128x128xf32, #tpu.memory_space<hbm>>
      tpu.wait_dma2 semaphore(%run_scoped3A : memref<!tpu.dma_semaphore, #tpu.memory_space<semaphore_mem>>) src(%arg6 : memref<128x128xf32, #tpu.memory_space<vmem>>) dst(%dma_wait3A_166 : memref<128x128xf32, #tpu.memory_space<hbm>>)
      tpu.yield
    }) : () -> ()
    %mul3A_79 = arith.constant 2048 : i32
    %mul3A_80 = arith.muli %add3A, %mul3A_79 : i32
    %add3A_81 = arith.constant 1024 : i32
    %add3A_82 = arith.addi %mul3A_80, %add3A_81 : i32
    "tpu.region"() ({
      %run_scoped3A = tpu.sem_alloc : memref<!tpu.dma_semaphore, #tpu.memory_space<semaphore_mem>>
      %dma_start3A_159 = tpu.memref_slice %arg3[%add3A_82] : memref<65536xi32, #tpu.memory_space<hbm>> -> memref<128xi32, #tpu.memory_space<hbm>>
      %dma_start3A_160 = tpu.memref_slice %arg3[%add3A_82] : memref<65536xi32, #tpu.memory_space<hbm>> -> memref<128xi32, #tpu.memory_space<hbm>>
      tpu.enqueue_dma source(%dma_start3A_160 : memref<128xi32, #tpu.memory_space<hbm>>) target(%arg5 : memref<128xi32, #tpu.memory_space<vmem>>) target_semaphore(%run_scoped3A : memref<!tpu.dma_semaphore, #tpu.memory_space<semaphore_mem>>)
      %dma_wait3A_161 = tpu.memref_slice %arg3[%add3A_82] : memref<65536xi32, #tpu.memory_space<hbm>> -> memref<128xi32, #tpu.memory_space<hbm>>
      %dma_wait3A_162 = tpu.memref_slice %arg3[%add3A_82] : memref<65536xi32, #tpu.memory_space<hbm>> -> memref<128xi32, #tpu.memory_space<hbm>>
      tpu.wait_dma2 semaphore(%run_scoped3A : memref<!tpu.dma_semaphore, #tpu.memory_space<semaphore_mem>>) src(%dma_wait3A_162 : memref<128xi32, #tpu.memory_space<hbm>>) dst(%arg5 : memref<128xi32, #tpu.memory_space<vmem>>)
      tpu.yield
    }) : () -> ()
    %dma_start3A_83 = arith.constant 0 : i32
    %dma_start3A_84 = arith.constant 0 : i32
    %dma_start3A_85 = tpu.memref_slice %arg2[%dma_start3A_83, %dma_start3A_84] : memref<4096x128xf32, #tpu.memory_space<hbm>> -> memref<4096x128xf32, #tpu.memory_space<hbm>>
    tpu.enqueue_indirect_dma source(%dma_start3A_85 : memref<4096x128xf32, #tpu.memory_space<hbm>>) target(%arg6 : memref<128x128xf32, #tpu.memory_space<vmem>>) offsets(%arg5 : memref<128xi32, #tpu.memory_space<vmem>>) semaphore(%arg7 : memref<!tpu.dma_semaphore, #tpu.memory_space<semaphore_mem>>)
    %dma_wait3A_86 = arith.constant 0 : i32
    %dma_wait3A_87 = arith.constant 0 : i32
    %dma_wait3A_88 = tpu.memref_slice %arg2[%dma_wait3A_86, %dma_wait3A_87] : memref<4096x128xf32, #tpu.memory_space<hbm>> -> memref<4096x128xf32, #tpu.memory_space<hbm>>
    tpu.wait_indirect_dma semaphore(%arg7 : memref<!tpu.dma_semaphore, #tpu.memory_space<semaphore_mem>>) src(%dma_wait3A_88 : memref<4096x128xf32, #tpu.memory_space<hbm>>) dst(%arg6 : memref<128x128xf32, #tpu.memory_space<vmem>>)
    "tpu.region"() ({
      %run_scoped3A = tpu.sem_alloc : memref<!tpu.dma_semaphore, #tpu.memory_space<semaphore_mem>>
      %dma_start3A_159 = arith.constant 0 : i32
      %dma_start3A_160 = tpu.memref_slice %arg4[%add3A_82, %dma_start3A_159] : memref<65536x128xf32, #tpu.memory_space<hbm>> -> memref<128x128xf32, #tpu.memory_space<hbm>>
      %dma_start3A_161 = arith.constant 0 : i32
      %dma_start3A_162 = tpu.memref_slice %arg4[%add3A_82, %dma_start3A_161] : memref<65536x128xf32, #tpu.memory_space<hbm>> -> memref<128x128xf32, #tpu.memory_space<hbm>>
      tpu.enqueue_dma source(%arg6 : memref<128x128xf32, #tpu.memory_space<vmem>>) target(%dma_start3A_162 : memref<128x128xf32, #tpu.memory_space<hbm>>) target_semaphore(%run_scoped3A : memref<!tpu.dma_semaphore, #tpu.memory_space<semaphore_mem>>)
      %dma_wait3A_163 = arith.constant 0 : i32
      %dma_wait3A_164 = tpu.memref_slice %arg4[%add3A_82, %dma_wait3A_163] : memref<65536x128xf32, #tpu.memory_space<hbm>> -> memref<128x128xf32, #tpu.memory_space<hbm>>
      %dma_wait3A_165 = arith.constant 0 : i32
      %dma_wait3A_166 = tpu.memref_slice %arg4[%add3A_82, %dma_wait3A_165] : memref<65536x128xf32, #tpu.memory_space<hbm>> -> memref<128x128xf32, #tpu.memory_space<hbm>>
      tpu.wait_dma2 semaphore(%run_scoped3A : memref<!tpu.dma_semaphore, #tpu.memory_space<semaphore_mem>>) src(%arg6 : memref<128x128xf32, #tpu.memory_space<vmem>>) dst(%dma_wait3A_166 : memref<128x128xf32, #tpu.memory_space<hbm>>)
      tpu.yield
    }) : () -> ()
    %mul3A_89 = arith.constant 2048 : i32
    %mul3A_90 = arith.muli %add3A, %mul3A_89 : i32
    %add3A_91 = arith.constant 1152 : i32
    %add3A_92 = arith.addi %mul3A_90, %add3A_91 : i32
    "tpu.region"() ({
      %run_scoped3A = tpu.sem_alloc : memref<!tpu.dma_semaphore, #tpu.memory_space<semaphore_mem>>
      %dma_start3A_159 = tpu.memref_slice %arg3[%add3A_92] : memref<65536xi32, #tpu.memory_space<hbm>> -> memref<128xi32, #tpu.memory_space<hbm>>
      %dma_start3A_160 = tpu.memref_slice %arg3[%add3A_92] : memref<65536xi32, #tpu.memory_space<hbm>> -> memref<128xi32, #tpu.memory_space<hbm>>
      tpu.enqueue_dma source(%dma_start3A_160 : memref<128xi32, #tpu.memory_space<hbm>>) target(%arg5 : memref<128xi32, #tpu.memory_space<vmem>>) target_semaphore(%run_scoped3A : memref<!tpu.dma_semaphore, #tpu.memory_space<semaphore_mem>>)
      %dma_wait3A_161 = tpu.memref_slice %arg3[%add3A_92] : memref<65536xi32, #tpu.memory_space<hbm>> -> memref<128xi32, #tpu.memory_space<hbm>>
      %dma_wait3A_162 = tpu.memref_slice %arg3[%add3A_92] : memref<65536xi32, #tpu.memory_space<hbm>> -> memref<128xi32, #tpu.memory_space<hbm>>
      tpu.wait_dma2 semaphore(%run_scoped3A : memref<!tpu.dma_semaphore, #tpu.memory_space<semaphore_mem>>) src(%dma_wait3A_162 : memref<128xi32, #tpu.memory_space<hbm>>) dst(%arg5 : memref<128xi32, #tpu.memory_space<vmem>>)
      tpu.yield
    }) : () -> ()
    %dma_start3A_93 = arith.constant 0 : i32
    %dma_start3A_94 = arith.constant 0 : i32
    %dma_start3A_95 = tpu.memref_slice %arg2[%dma_start3A_93, %dma_start3A_94] : memref<4096x128xf32, #tpu.memory_space<hbm>> -> memref<4096x128xf32, #tpu.memory_space<hbm>>
    tpu.enqueue_indirect_dma source(%dma_start3A_95 : memref<4096x128xf32, #tpu.memory_space<hbm>>) target(%arg6 : memref<128x128xf32, #tpu.memory_space<vmem>>) offsets(%arg5 : memref<128xi32, #tpu.memory_space<vmem>>) semaphore(%arg7 : memref<!tpu.dma_semaphore, #tpu.memory_space<semaphore_mem>>)
    %dma_wait3A_96 = arith.constant 0 : i32
    %dma_wait3A_97 = arith.constant 0 : i32
    %dma_wait3A_98 = tpu.memref_slice %arg2[%dma_wait3A_96, %dma_wait3A_97] : memref<4096x128xf32, #tpu.memory_space<hbm>> -> memref<4096x128xf32, #tpu.memory_space<hbm>>
    tpu.wait_indirect_dma semaphore(%arg7 : memref<!tpu.dma_semaphore, #tpu.memory_space<semaphore_mem>>) src(%dma_wait3A_98 : memref<4096x128xf32, #tpu.memory_space<hbm>>) dst(%arg6 : memref<128x128xf32, #tpu.memory_space<vmem>>)
    "tpu.region"() ({
      %run_scoped3A = tpu.sem_alloc : memref<!tpu.dma_semaphore, #tpu.memory_space<semaphore_mem>>
      %dma_start3A_159 = arith.constant 0 : i32
      %dma_start3A_160 = tpu.memref_slice %arg4[%add3A_92, %dma_start3A_159] : memref<65536x128xf32, #tpu.memory_space<hbm>> -> memref<128x128xf32, #tpu.memory_space<hbm>>
      %dma_start3A_161 = arith.constant 0 : i32
      %dma_start3A_162 = tpu.memref_slice %arg4[%add3A_92, %dma_start3A_161] : memref<65536x128xf32, #tpu.memory_space<hbm>> -> memref<128x128xf32, #tpu.memory_space<hbm>>
      tpu.enqueue_dma source(%arg6 : memref<128x128xf32, #tpu.memory_space<vmem>>) target(%dma_start3A_162 : memref<128x128xf32, #tpu.memory_space<hbm>>) target_semaphore(%run_scoped3A : memref<!tpu.dma_semaphore, #tpu.memory_space<semaphore_mem>>)
      %dma_wait3A_163 = arith.constant 0 : i32
      %dma_wait3A_164 = tpu.memref_slice %arg4[%add3A_92, %dma_wait3A_163] : memref<65536x128xf32, #tpu.memory_space<hbm>> -> memref<128x128xf32, #tpu.memory_space<hbm>>
      %dma_wait3A_165 = arith.constant 0 : i32
      %dma_wait3A_166 = tpu.memref_slice %arg4[%add3A_92, %dma_wait3A_165] : memref<65536x128xf32, #tpu.memory_space<hbm>> -> memref<128x128xf32, #tpu.memory_space<hbm>>
      tpu.wait_dma2 semaphore(%run_scoped3A : memref<!tpu.dma_semaphore, #tpu.memory_space<semaphore_mem>>) src(%arg6 : memref<128x128xf32, #tpu.memory_space<vmem>>) dst(%dma_wait3A_166 : memref<128x128xf32, #tpu.memory_space<hbm>>)
      tpu.yield
    }) : () -> ()
    %mul3A_99 = arith.constant 2048 : i32
    %mul3A_100 = arith.muli %add3A, %mul3A_99 : i32
    %add3A_101 = arith.constant 1280 : i32
    %add3A_102 = arith.addi %mul3A_100, %add3A_101 : i32
    "tpu.region"() ({
      %run_scoped3A = tpu.sem_alloc : memref<!tpu.dma_semaphore, #tpu.memory_space<semaphore_mem>>
      %dma_start3A_159 = tpu.memref_slice %arg3[%add3A_102] : memref<65536xi32, #tpu.memory_space<hbm>> -> memref<128xi32, #tpu.memory_space<hbm>>
      %dma_start3A_160 = tpu.memref_slice %arg3[%add3A_102] : memref<65536xi32, #tpu.memory_space<hbm>> -> memref<128xi32, #tpu.memory_space<hbm>>
      tpu.enqueue_dma source(%dma_start3A_160 : memref<128xi32, #tpu.memory_space<hbm>>) target(%arg5 : memref<128xi32, #tpu.memory_space<vmem>>) target_semaphore(%run_scoped3A : memref<!tpu.dma_semaphore, #tpu.memory_space<semaphore_mem>>)
      %dma_wait3A_161 = tpu.memref_slice %arg3[%add3A_102] : memref<65536xi32, #tpu.memory_space<hbm>> -> memref<128xi32, #tpu.memory_space<hbm>>
      %dma_wait3A_162 = tpu.memref_slice %arg3[%add3A_102] : memref<65536xi32, #tpu.memory_space<hbm>> -> memref<128xi32, #tpu.memory_space<hbm>>
      tpu.wait_dma2 semaphore(%run_scoped3A : memref<!tpu.dma_semaphore, #tpu.memory_space<semaphore_mem>>) src(%dma_wait3A_162 : memref<128xi32, #tpu.memory_space<hbm>>) dst(%arg5 : memref<128xi32, #tpu.memory_space<vmem>>)
      tpu.yield
    }) : () -> ()
    %dma_start3A_103 = arith.constant 0 : i32
    %dma_start3A_104 = arith.constant 0 : i32
    %dma_start3A_105 = tpu.memref_slice %arg2[%dma_start3A_103, %dma_start3A_104] : memref<4096x128xf32, #tpu.memory_space<hbm>> -> memref<4096x128xf32, #tpu.memory_space<hbm>>
    tpu.enqueue_indirect_dma source(%dma_start3A_105 : memref<4096x128xf32, #tpu.memory_space<hbm>>) target(%arg6 : memref<128x128xf32, #tpu.memory_space<vmem>>) offsets(%arg5 : memref<128xi32, #tpu.memory_space<vmem>>) semaphore(%arg7 : memref<!tpu.dma_semaphore, #tpu.memory_space<semaphore_mem>>)
    %dma_wait3A_106 = arith.constant 0 : i32
    %dma_wait3A_107 = arith.constant 0 : i32
    %dma_wait3A_108 = tpu.memref_slice %arg2[%dma_wait3A_106, %dma_wait3A_107] : memref<4096x128xf32, #tpu.memory_space<hbm>> -> memref<4096x128xf32, #tpu.memory_space<hbm>>
    tpu.wait_indirect_dma semaphore(%arg7 : memref<!tpu.dma_semaphore, #tpu.memory_space<semaphore_mem>>) src(%dma_wait3A_108 : memref<4096x128xf32, #tpu.memory_space<hbm>>) dst(%arg6 : memref<128x128xf32, #tpu.memory_space<vmem>>)
    "tpu.region"() ({
      %run_scoped3A = tpu.sem_alloc : memref<!tpu.dma_semaphore, #tpu.memory_space<semaphore_mem>>
      %dma_start3A_159 = arith.constant 0 : i32
      %dma_start3A_160 = tpu.memref_slice %arg4[%add3A_102, %dma_start3A_159] : memref<65536x128xf32, #tpu.memory_space<hbm>> -> memref<128x128xf32, #tpu.memory_space<hbm>>
      %dma_start3A_161 = arith.constant 0 : i32
      %dma_start3A_162 = tpu.memref_slice %arg4[%add3A_102, %dma_start3A_161] : memref<65536x128xf32, #tpu.memory_space<hbm>> -> memref<128x128xf32, #tpu.memory_space<hbm>>
      tpu.enqueue_dma source(%arg6 : memref<128x128xf32, #tpu.memory_space<vmem>>) target(%dma_start3A_162 : memref<128x128xf32, #tpu.memory_space<hbm>>) target_semaphore(%run_scoped3A : memref<!tpu.dma_semaphore, #tpu.memory_space<semaphore_mem>>)
      %dma_wait3A_163 = arith.constant 0 : i32
      %dma_wait3A_164 = tpu.memref_slice %arg4[%add3A_102, %dma_wait3A_163] : memref<65536x128xf32, #tpu.memory_space<hbm>> -> memref<128x128xf32, #tpu.memory_space<hbm>>
      %dma_wait3A_165 = arith.constant 0 : i32
      %dma_wait3A_166 = tpu.memref_slice %arg4[%add3A_102, %dma_wait3A_165] : memref<65536x128xf32, #tpu.memory_space<hbm>> -> memref<128x128xf32, #tpu.memory_space<hbm>>
      tpu.wait_dma2 semaphore(%run_scoped3A : memref<!tpu.dma_semaphore, #tpu.memory_space<semaphore_mem>>) src(%arg6 : memref<128x128xf32, #tpu.memory_space<vmem>>) dst(%dma_wait3A_166 : memref<128x128xf32, #tpu.memory_space<hbm>>)
      tpu.yield
    }) : () -> ()
    %mul3A_109 = arith.constant 2048 : i32
    %mul3A_110 = arith.muli %add3A, %mul3A_109 : i32
    %add3A_111 = arith.constant 1408 : i32
    %add3A_112 = arith.addi %mul3A_110, %add3A_111 : i32
    "tpu.region"() ({
      %run_scoped3A = tpu.sem_alloc : memref<!tpu.dma_semaphore, #tpu.memory_space<semaphore_mem>>
      %dma_start3A_159 = tpu.memref_slice %arg3[%add3A_112] : memref<65536xi32, #tpu.memory_space<hbm>> -> memref<128xi32, #tpu.memory_space<hbm>>
      %dma_start3A_160 = tpu.memref_slice %arg3[%add3A_112] : memref<65536xi32, #tpu.memory_space<hbm>> -> memref<128xi32, #tpu.memory_space<hbm>>
      tpu.enqueue_dma source(%dma_start3A_160 : memref<128xi32, #tpu.memory_space<hbm>>) target(%arg5 : memref<128xi32, #tpu.memory_space<vmem>>) target_semaphore(%run_scoped3A : memref<!tpu.dma_semaphore, #tpu.memory_space<semaphore_mem>>)
      %dma_wait3A_161 = tpu.memref_slice %arg3[%add3A_112] : memref<65536xi32, #tpu.memory_space<hbm>> -> memref<128xi32, #tpu.memory_space<hbm>>
      %dma_wait3A_162 = tpu.memref_slice %arg3[%add3A_112] : memref<65536xi32, #tpu.memory_space<hbm>> -> memref<128xi32, #tpu.memory_space<hbm>>
      tpu.wait_dma2 semaphore(%run_scoped3A : memref<!tpu.dma_semaphore, #tpu.memory_space<semaphore_mem>>) src(%dma_wait3A_162 : memref<128xi32, #tpu.memory_space<hbm>>) dst(%arg5 : memref<128xi32, #tpu.memory_space<vmem>>)
      tpu.yield
    }) : () -> ()
    %dma_start3A_113 = arith.constant 0 : i32
    %dma_start3A_114 = arith.constant 0 : i32
    %dma_start3A_115 = tpu.memref_slice %arg2[%dma_start3A_113, %dma_start3A_114] : memref<4096x128xf32, #tpu.memory_space<hbm>> -> memref<4096x128xf32, #tpu.memory_space<hbm>>
    tpu.enqueue_indirect_dma source(%dma_start3A_115 : memref<4096x128xf32, #tpu.memory_space<hbm>>) target(%arg6 : memref<128x128xf32, #tpu.memory_space<vmem>>) offsets(%arg5 : memref<128xi32, #tpu.memory_space<vmem>>) semaphore(%arg7 : memref<!tpu.dma_semaphore, #tpu.memory_space<semaphore_mem>>)
    %dma_wait3A_116 = arith.constant 0 : i32
    %dma_wait3A_117 = arith.constant 0 : i32
    %dma_wait3A_118 = tpu.memref_slice %arg2[%dma_wait3A_116, %dma_wait3A_117] : memref<4096x128xf32, #tpu.memory_space<hbm>> -> memref<4096x128xf32, #tpu.memory_space<hbm>>
    tpu.wait_indirect_dma semaphore(%arg7 : memref<!tpu.dma_semaphore, #tpu.memory_space<semaphore_mem>>) src(%dma_wait3A_118 : memref<4096x128xf32, #tpu.memory_space<hbm>>) dst(%arg6 : memref<128x128xf32, #tpu.memory_space<vmem>>)
    "tpu.region"() ({
      %run_scoped3A = tpu.sem_alloc : memref<!tpu.dma_semaphore, #tpu.memory_space<semaphore_mem>>
      %dma_start3A_159 = arith.constant 0 : i32
      %dma_start3A_160 = tpu.memref_slice %arg4[%add3A_112, %dma_start3A_159] : memref<65536x128xf32, #tpu.memory_space<hbm>> -> memref<128x128xf32, #tpu.memory_space<hbm>>
      %dma_start3A_161 = arith.constant 0 : i32
      %dma_start3A_162 = tpu.memref_slice %arg4[%add3A_112, %dma_start3A_161] : memref<65536x128xf32, #tpu.memory_space<hbm>> -> memref<128x128xf32, #tpu.memory_space<hbm>>
      tpu.enqueue_dma source(%arg6 : memref<128x128xf32, #tpu.memory_space<vmem>>) target(%dma_start3A_162 : memref<128x128xf32, #tpu.memory_space<hbm>>) target_semaphore(%run_scoped3A : memref<!tpu.dma_semaphore, #tpu.memory_space<semaphore_mem>>)
      %dma_wait3A_163 = arith.constant 0 : i32
      %dma_wait3A_164 = tpu.memref_slice %arg4[%add3A_112, %dma_wait3A_163] : memref<65536x128xf32, #tpu.memory_space<hbm>> -> memref<128x128xf32, #tpu.memory_space<hbm>>
      %dma_wait3A_165 = arith.constant 0 : i32
      %dma_wait3A_166 = tpu.memref_slice %arg4[%add3A_112, %dma_wait3A_165] : memref<65536x128xf32, #tpu.memory_space<hbm>> -> memref<128x128xf32, #tpu.memory_space<hbm>>
      tpu.wait_dma2 semaphore(%run_scoped3A : memref<!tpu.dma_semaphore, #tpu.memory_space<semaphore_mem>>) src(%arg6 : memref<128x128xf32, #tpu.memory_space<vmem>>) dst(%dma_wait3A_166 : memref<128x128xf32, #tpu.memory_space<hbm>>)
      tpu.yield
    }) : () -> ()
    %mul3A_119 = arith.constant 2048 : i32
    %mul3A_120 = arith.muli %add3A, %mul3A_119 : i32
    %add3A_121 = arith.constant 1536 : i32
    %add3A_122 = arith.addi %mul3A_120, %add3A_121 : i32
    "tpu.region"() ({
      %run_scoped3A = tpu.sem_alloc : memref<!tpu.dma_semaphore, #tpu.memory_space<semaphore_mem>>
      %dma_start3A_159 = tpu.memref_slice %arg3[%add3A_122] : memref<65536xi32, #tpu.memory_space<hbm>> -> memref<128xi32, #tpu.memory_space<hbm>>
      %dma_start3A_160 = tpu.memref_slice %arg3[%add3A_122] : memref<65536xi32, #tpu.memory_space<hbm>> -> memref<128xi32, #tpu.memory_space<hbm>>
      tpu.enqueue_dma source(%dma_start3A_160 : memref<128xi32, #tpu.memory_space<hbm>>) target(%arg5 : memref<128xi32, #tpu.memory_space<vmem>>) target_semaphore(%run_scoped3A : memref<!tpu.dma_semaphore, #tpu.memory_space<semaphore_mem>>)
      %dma_wait3A_161 = tpu.memref_slice %arg3[%add3A_122] : memref<65536xi32, #tpu.memory_space<hbm>> -> memref<128xi32, #tpu.memory_space<hbm>>
      %dma_wait3A_162 = tpu.memref_slice %arg3[%add3A_122] : memref<65536xi32, #tpu.memory_space<hbm>> -> memref<128xi32, #tpu.memory_space<hbm>>
      tpu.wait_dma2 semaphore(%run_scoped3A : memref<!tpu.dma_semaphore, #tpu.memory_space<semaphore_mem>>) src(%dma_wait3A_162 : memref<128xi32, #tpu.memory_space<hbm>>) dst(%arg5 : memref<128xi32, #tpu.memory_space<vmem>>)
      tpu.yield
    }) : () -> ()
    %dma_start3A_123 = arith.constant 0 : i32
    %dma_start3A_124 = arith.constant 0 : i32
    %dma_start3A_125 = tpu.memref_slice %arg2[%dma_start3A_123, %dma_start3A_124] : memref<4096x128xf32, #tpu.memory_space<hbm>> -> memref<4096x128xf32, #tpu.memory_space<hbm>>
    tpu.enqueue_indirect_dma source(%dma_start3A_125 : memref<4096x128xf32, #tpu.memory_space<hbm>>) target(%arg6 : memref<128x128xf32, #tpu.memory_space<vmem>>) offsets(%arg5 : memref<128xi32, #tpu.memory_space<vmem>>) semaphore(%arg7 : memref<!tpu.dma_semaphore, #tpu.memory_space<semaphore_mem>>)
    %dma_wait3A_126 = arith.constant 0 : i32
    %dma_wait3A_127 = arith.constant 0 : i32
    %dma_wait3A_128 = tpu.memref_slice %arg2[%dma_wait3A_126, %dma_wait3A_127] : memref<4096x128xf32, #tpu.memory_space<hbm>> -> memref<4096x128xf32, #tpu.memory_space<hbm>>
    tpu.wait_indirect_dma semaphore(%arg7 : memref<!tpu.dma_semaphore, #tpu.memory_space<semaphore_mem>>) src(%dma_wait3A_128 : memref<4096x128xf32, #tpu.memory_space<hbm>>) dst(%arg6 : memref<128x128xf32, #tpu.memory_space<vmem>>)
    "tpu.region"() ({
      %run_scoped3A = tpu.sem_alloc : memref<!tpu.dma_semaphore, #tpu.memory_space<semaphore_mem>>
      %dma_start3A_159 = arith.constant 0 : i32
      %dma_start3A_160 = tpu.memref_slice %arg4[%add3A_122, %dma_start3A_159] : memref<65536x128xf32, #tpu.memory_space<hbm>> -> memref<128x128xf32, #tpu.memory_space<hbm>>
      %dma_start3A_161 = arith.constant 0 : i32
      %dma_start3A_162 = tpu.memref_slice %arg4[%add3A_122, %dma_start3A_161] : memref<65536x128xf32, #tpu.memory_space<hbm>> -> memref<128x128xf32, #tpu.memory_space<hbm>>
      tpu.enqueue_dma source(%arg6 : memref<128x128xf32, #tpu.memory_space<vmem>>) target(%dma_start3A_162 : memref<128x128xf32, #tpu.memory_space<hbm>>) target_semaphore(%run_scoped3A : memref<!tpu.dma_semaphore, #tpu.memory_space<semaphore_mem>>)
      %dma_wait3A_163 = arith.constant 0 : i32
      %dma_wait3A_164 = tpu.memref_slice %arg4[%add3A_122, %dma_wait3A_163] : memref<65536x128xf32, #tpu.memory_space<hbm>> -> memref<128x128xf32, #tpu.memory_space<hbm>>
      %dma_wait3A_165 = arith.constant 0 : i32
      %dma_wait3A_166 = tpu.memref_slice %arg4[%add3A_122, %dma_wait3A_165] : memref<65536x128xf32, #tpu.memory_space<hbm>> -> memref<128x128xf32, #tpu.memory_space<hbm>>
      tpu.wait_dma2 semaphore(%run_scoped3A : memref<!tpu.dma_semaphore, #tpu.memory_space<semaphore_mem>>) src(%arg6 : memref<128x128xf32, #tpu.memory_space<vmem>>) dst(%dma_wait3A_166 : memref<128x128xf32, #tpu.memory_space<hbm>>)
      tpu.yield
    }) : () -> ()
    %mul3A_129 = arith.constant 2048 : i32
    %mul3A_130 = arith.muli %add3A, %mul3A_129 : i32
    %add3A_131 = arith.constant 1664 : i32
    %add3A_132 = arith.addi %mul3A_130, %add3A_131 : i32
    "tpu.region"() ({
      %run_scoped3A = tpu.sem_alloc : memref<!tpu.dma_semaphore, #tpu.memory_space<semaphore_mem>>
      %dma_start3A_159 = tpu.memref_slice %arg3[%add3A_132] : memref<65536xi32, #tpu.memory_space<hbm>> -> memref<128xi32, #tpu.memory_space<hbm>>
      %dma_start3A_160 = tpu.memref_slice %arg3[%add3A_132] : memref<65536xi32, #tpu.memory_space<hbm>> -> memref<128xi32, #tpu.memory_space<hbm>>
      tpu.enqueue_dma source(%dma_start3A_160 : memref<128xi32, #tpu.memory_space<hbm>>) target(%arg5 : memref<128xi32, #tpu.memory_space<vmem>>) target_semaphore(%run_scoped3A : memref<!tpu.dma_semaphore, #tpu.memory_space<semaphore_mem>>)
      %dma_wait3A_161 = tpu.memref_slice %arg3[%add3A_132] : memref<65536xi32, #tpu.memory_space<hbm>> -> memref<128xi32, #tpu.memory_space<hbm>>
      %dma_wait3A_162 = tpu.memref_slice %arg3[%add3A_132] : memref<65536xi32, #tpu.memory_space<hbm>> -> memref<128xi32, #tpu.memory_space<hbm>>
      tpu.wait_dma2 semaphore(%run_scoped3A : memref<!tpu.dma_semaphore, #tpu.memory_space<semaphore_mem>>) src(%dma_wait3A_162 : memref<128xi32, #tpu.memory_space<hbm>>) dst(%arg5 : memref<128xi32, #tpu.memory_space<vmem>>)
      tpu.yield
    }) : () -> ()
    %dma_start3A_133 = arith.constant 0 : i32
    %dma_start3A_134 = arith.constant 0 : i32
    %dma_start3A_135 = tpu.memref_slice %arg2[%dma_start3A_133, %dma_start3A_134] : memref<4096x128xf32, #tpu.memory_space<hbm>> -> memref<4096x128xf32, #tpu.memory_space<hbm>>
    tpu.enqueue_indirect_dma source(%dma_start3A_135 : memref<4096x128xf32, #tpu.memory_space<hbm>>) target(%arg6 : memref<128x128xf32, #tpu.memory_space<vmem>>) offsets(%arg5 : memref<128xi32, #tpu.memory_space<vmem>>) semaphore(%arg7 : memref<!tpu.dma_semaphore, #tpu.memory_space<semaphore_mem>>)
    %dma_wait3A_136 = arith.constant 0 : i32
    %dma_wait3A_137 = arith.constant 0 : i32
    %dma_wait3A_138 = tpu.memref_slice %arg2[%dma_wait3A_136, %dma_wait3A_137] : memref<4096x128xf32, #tpu.memory_space<hbm>> -> memref<4096x128xf32, #tpu.memory_space<hbm>>
    tpu.wait_indirect_dma semaphore(%arg7 : memref<!tpu.dma_semaphore, #tpu.memory_space<semaphore_mem>>) src(%dma_wait3A_138 : memref<4096x128xf32, #tpu.memory_space<hbm>>) dst(%arg6 : memref<128x128xf32, #tpu.memory_space<vmem>>)
    "tpu.region"() ({
      %run_scoped3A = tpu.sem_alloc : memref<!tpu.dma_semaphore, #tpu.memory_space<semaphore_mem>>
      %dma_start3A_159 = arith.constant 0 : i32
      %dma_start3A_160 = tpu.memref_slice %arg4[%add3A_132, %dma_start3A_159] : memref<65536x128xf32, #tpu.memory_space<hbm>> -> memref<128x128xf32, #tpu.memory_space<hbm>>
      %dma_start3A_161 = arith.constant 0 : i32
      %dma_start3A_162 = tpu.memref_slice %arg4[%add3A_132, %dma_start3A_161] : memref<65536x128xf32, #tpu.memory_space<hbm>> -> memref<128x128xf32, #tpu.memory_space<hbm>>
      tpu.enqueue_dma source(%arg6 : memref<128x128xf32, #tpu.memory_space<vmem>>) target(%dma_start3A_162 : memref<128x128xf32, #tpu.memory_space<hbm>>) target_semaphore(%run_scoped3A : memref<!tpu.dma_semaphore, #tpu.memory_space<semaphore_mem>>)
      %dma_wait3A_163 = arith.constant 0 : i32
      %dma_wait3A_164 = tpu.memref_slice %arg4[%add3A_132, %dma_wait3A_163] : memref<65536x128xf32, #tpu.memory_space<hbm>> -> memref<128x128xf32, #tpu.memory_space<hbm>>
      %dma_wait3A_165 = arith.constant 0 : i32
      %dma_wait3A_166 = tpu.memref_slice %arg4[%add3A_132, %dma_wait3A_165] : memref<65536x128xf32, #tpu.memory_space<hbm>> -> memref<128x128xf32, #tpu.memory_space<hbm>>
      tpu.wait_dma2 semaphore(%run_scoped3A : memref<!tpu.dma_semaphore, #tpu.memory_space<semaphore_mem>>) src(%arg6 : memref<128x128xf32, #tpu.memory_space<vmem>>) dst(%dma_wait3A_166 : memref<128x128xf32, #tpu.memory_space<hbm>>)
      tpu.yield
    }) : () -> ()
    %mul3A_139 = arith.constant 2048 : i32
    %mul3A_140 = arith.muli %add3A, %mul3A_139 : i32
    %add3A_141 = arith.constant 1792 : i32
    %add3A_142 = arith.addi %mul3A_140, %add3A_141 : i32
    "tpu.region"() ({
      %run_scoped3A = tpu.sem_alloc : memref<!tpu.dma_semaphore, #tpu.memory_space<semaphore_mem>>
      %dma_start3A_159 = tpu.memref_slice %arg3[%add3A_142] : memref<65536xi32, #tpu.memory_space<hbm>> -> memref<128xi32, #tpu.memory_space<hbm>>
      %dma_start3A_160 = tpu.memref_slice %arg3[%add3A_142] : memref<65536xi32, #tpu.memory_space<hbm>> -> memref<128xi32, #tpu.memory_space<hbm>>
      tpu.enqueue_dma source(%dma_start3A_160 : memref<128xi32, #tpu.memory_space<hbm>>) target(%arg5 : memref<128xi32, #tpu.memory_space<vmem>>) target_semaphore(%run_scoped3A : memref<!tpu.dma_semaphore, #tpu.memory_space<semaphore_mem>>)
      %dma_wait3A_161 = tpu.memref_slice %arg3[%add3A_142] : memref<65536xi32, #tpu.memory_space<hbm>> -> memref<128xi32, #tpu.memory_space<hbm>>
      %dma_wait3A_162 = tpu.memref_slice %arg3[%add3A_142] : memref<65536xi32, #tpu.memory_space<hbm>> -> memref<128xi32, #tpu.memory_space<hbm>>
      tpu.wait_dma2 semaphore(%run_scoped3A : memref<!tpu.dma_semaphore, #tpu.memory_space<semaphore_mem>>) src(%dma_wait3A_162 : memref<128xi32, #tpu.memory_space<hbm>>) dst(%arg5 : memref<128xi32, #tpu.memory_space<vmem>>)
      tpu.yield
    }) : () -> ()
    %dma_start3A_143 = arith.constant 0 : i32
    %dma_start3A_144 = arith.constant 0 : i32
    %dma_start3A_145 = tpu.memref_slice %arg2[%dma_start3A_143, %dma_start3A_144] : memref<4096x128xf32, #tpu.memory_space<hbm>> -> memref<4096x128xf32, #tpu.memory_space<hbm>>
    tpu.enqueue_indirect_dma source(%dma_start3A_145 : memref<4096x128xf32, #tpu.memory_space<hbm>>) target(%arg6 : memref<128x128xf32, #tpu.memory_space<vmem>>) offsets(%arg5 : memref<128xi32, #tpu.memory_space<vmem>>) semaphore(%arg7 : memref<!tpu.dma_semaphore, #tpu.memory_space<semaphore_mem>>)
    %dma_wait3A_146 = arith.constant 0 : i32
    %dma_wait3A_147 = arith.constant 0 : i32
    %dma_wait3A_148 = tpu.memref_slice %arg2[%dma_wait3A_146, %dma_wait3A_147] : memref<4096x128xf32, #tpu.memory_space<hbm>> -> memref<4096x128xf32, #tpu.memory_space<hbm>>
    tpu.wait_indirect_dma semaphore(%arg7 : memref<!tpu.dma_semaphore, #tpu.memory_space<semaphore_mem>>) src(%dma_wait3A_148 : memref<4096x128xf32, #tpu.memory_space<hbm>>) dst(%arg6 : memref<128x128xf32, #tpu.memory_space<vmem>>)
    "tpu.region"() ({
      %run_scoped3A = tpu.sem_alloc : memref<!tpu.dma_semaphore, #tpu.memory_space<semaphore_mem>>
      %dma_start3A_159 = arith.constant 0 : i32
      %dma_start3A_160 = tpu.memref_slice %arg4[%add3A_142, %dma_start3A_159] : memref<65536x128xf32, #tpu.memory_space<hbm>> -> memref<128x128xf32, #tpu.memory_space<hbm>>
      %dma_start3A_161 = arith.constant 0 : i32
      %dma_start3A_162 = tpu.memref_slice %arg4[%add3A_142, %dma_start3A_161] : memref<65536x128xf32, #tpu.memory_space<hbm>> -> memref<128x128xf32, #tpu.memory_space<hbm>>
      tpu.enqueue_dma source(%arg6 : memref<128x128xf32, #tpu.memory_space<vmem>>) target(%dma_start3A_162 : memref<128x128xf32, #tpu.memory_space<hbm>>) target_semaphore(%run_scoped3A : memref<!tpu.dma_semaphore, #tpu.memory_space<semaphore_mem>>)
      %dma_wait3A_163 = arith.constant 0 : i32
      %dma_wait3A_164 = tpu.memref_slice %arg4[%add3A_142, %dma_wait3A_163] : memref<65536x128xf32, #tpu.memory_space<hbm>> -> memref<128x128xf32, #tpu.memory_space<hbm>>
      %dma_wait3A_165 = arith.constant 0 : i32
      %dma_wait3A_166 = tpu.memref_slice %arg4[%add3A_142, %dma_wait3A_165] : memref<65536x128xf32, #tpu.memory_space<hbm>> -> memref<128x128xf32, #tpu.memory_space<hbm>>
      tpu.wait_dma2 semaphore(%run_scoped3A : memref<!tpu.dma_semaphore, #tpu.memory_space<semaphore_mem>>) src(%arg6 : memref<128x128xf32, #tpu.memory_space<vmem>>) dst(%dma_wait3A_166 : memref<128x128xf32, #tpu.memory_space<hbm>>)
      tpu.yield
    }) : () -> ()
    %mul3A_149 = arith.constant 2048 : i32
    %mul3A_150 = arith.muli %add3A, %mul3A_149 : i32
    %add3A_151 = arith.constant 1920 : i32
    %add3A_152 = arith.addi %mul3A_150, %add3A_151 : i32
    "tpu.region"() ({
      %run_scoped3A = tpu.sem_alloc : memref<!tpu.dma_semaphore, #tpu.memory_space<semaphore_mem>>
      %dma_start3A_159 = tpu.memref_slice %arg3[%add3A_152] : memref<65536xi32, #tpu.memory_space<hbm>> -> memref<128xi32, #tpu.memory_space<hbm>>
      %dma_start3A_160 = tpu.memref_slice %arg3[%add3A_152] : memref<65536xi32, #tpu.memory_space<hbm>> -> memref<128xi32, #tpu.memory_space<hbm>>
      tpu.enqueue_dma source(%dma_start3A_160 : memref<128xi32, #tpu.memory_space<hbm>>) target(%arg5 : memref<128xi32, #tpu.memory_space<vmem>>) target_semaphore(%run_scoped3A : memref<!tpu.dma_semaphore, #tpu.memory_space<semaphore_mem>>)
      %dma_wait3A_161 = tpu.memref_slice %arg3[%add3A_152] : memref<65536xi32, #tpu.memory_space<hbm>> -> memref<128xi32, #tpu.memory_space<hbm>>
      %dma_wait3A_162 = tpu.memref_slice %arg3[%add3A_152] : memref<65536xi32, #tpu.memory_space<hbm>> -> memref<128xi32, #tpu.memory_space<hbm>>
      tpu.wait_dma2 semaphore(%run_scoped3A : memref<!tpu.dma_semaphore, #tpu.memory_space<semaphore_mem>>) src(%dma_wait3A_162 : memref<128xi32, #tpu.memory_space<hbm>>) dst(%arg5 : memref<128xi32, #tpu.memory_space<vmem>>)
      tpu.yield
    }) : () -> ()
    %dma_start3A_153 = arith.constant 0 : i32
    %dma_start3A_154 = arith.constant 0 : i32
    %dma_start3A_155 = tpu.memref_slice %arg2[%dma_start3A_153, %dma_start3A_154] : memref<4096x128xf32, #tpu.memory_space<hbm>> -> memref<4096x128xf32, #tpu.memory_space<hbm>>
    tpu.enqueue_indirect_dma source(%dma_start3A_155 : memref<4096x128xf32, #tpu.memory_space<hbm>>) target(%arg6 : memref<128x128xf32, #tpu.memory_space<vmem>>) offsets(%arg5 : memref<128xi32, #tpu.memory_space<vmem>>) semaphore(%arg7 : memref<!tpu.dma_semaphore, #tpu.memory_space<semaphore_mem>>)
    %dma_wait3A_156 = arith.constant 0 : i32
    %dma_wait3A_157 = arith.constant 0 : i32
    %dma_wait3A_158 = tpu.memref_slice %arg2[%dma_wait3A_156, %dma_wait3A_157] : memref<4096x128xf32, #tpu.memory_space<hbm>> -> memref<4096x128xf32, #tpu.memory_space<hbm>>
    tpu.wait_indirect_dma semaphore(%arg7 : memref<!tpu.dma_semaphore, #tpu.memory_space<semaphore_mem>>) src(%dma_wait3A_158 : memref<4096x128xf32, #tpu.memory_space<hbm>>) dst(%arg6 : memref<128x128xf32, #tpu.memory_space<vmem>>)
    "tpu.region"() ({
      %run_scoped3A = tpu.sem_alloc : memref<!tpu.dma_semaphore, #tpu.memory_space<semaphore_mem>>
      %dma_start3A_159 = arith.constant 0 : i32
      %dma_start3A_160 = tpu.memref_slice %arg4[%add3A_152, %dma_start3A_159] : memref<65536x128xf32, #tpu.memory_space<hbm>> -> memref<128x128xf32, #tpu.memory_space<hbm>>
      %dma_start3A_161 = arith.constant 0 : i32
      %dma_start3A_162 = tpu.memref_slice %arg4[%add3A_152, %dma_start3A_161] : memref<65536x128xf32, #tpu.memory_space<hbm>> -> memref<128x128xf32, #tpu.memory_space<hbm>>
      tpu.enqueue_dma source(%arg6 : memref<128x128xf32, #tpu.memory_space<vmem>>) target(%dma_start3A_162 : memref<128x128xf32, #tpu.memory_space<hbm>>) target_semaphore(%run_scoped3A : memref<!tpu.dma_semaphore, #tpu.memory_space<semaphore_mem>>)
      %dma_wait3A_163 = arith.constant 0 : i32
      %dma_wait3A_164 = tpu.memref_slice %arg4[%add3A_152, %dma_wait3A_163] : memref<65536x128xf32, #tpu.memory_space<hbm>> -> memref<128x128xf32, #tpu.memory_space<hbm>>
      %dma_wait3A_165 = arith.constant 0 : i32
      %dma_wait3A_166 = tpu.memref_slice %arg4[%add3A_152, %dma_wait3A_165] : memref<65536x128xf32, #tpu.memory_space<hbm>> -> memref<128x128xf32, #tpu.memory_space<hbm>>
      tpu.wait_dma2 semaphore(%run_scoped3A : memref<!tpu.dma_semaphore, #tpu.memory_space<semaphore_mem>>) src(%arg6 : memref<128x128xf32, #tpu.memory_space<vmem>>) dst(%dma_wait3A_166 : memref<128x128xf32, #tpu.memory_space<hbm>>)
      tpu.yield
    }) : () -> ()
    return
  }
}

module attributes {stable_mosaic.version = 14 : i64} {
  func.func @_vq_body(%arg0: i32, %arg1: memref<512x256xf32, #tpu.memory_space<vmem>>, %arg2: memref<4x1024x128xf32, #tpu.memory_space<vmem>>, %arg3: memref<4x1024xf32, #tpu.memory_space<vmem>>, %arg4: memref<512x4x1024xf32, #tpu.memory_space<vmem>>, %arg5: memref<512x4xi32, #tpu.memory_space<vmem>>, %arg6: memref<512x4xi32, #tpu.memory_space<vmem>>) attributes {dimension_semantics = [#tpu.dimension_semantics<arbitrary>], iteration_bounds = array<i64: 32>, scalar_prefetch = 0 : i64, scratch_operands = 0 : i64, tpu.core_type = #tpu.core_type<tc>, window_params = [{transform_indices = @transform_0, window_bounds = array<i64: 512, 256>}, {pipeline_mode = #tpu.pipeline_mode<synchronous>, transform_indices = @transform_1, window_bounds = array<i64: 4, 1024, 128>}, {pipeline_mode = #tpu.pipeline_mode<synchronous>, transform_indices = @transform_2, window_bounds = array<i64: 4, 1024>}, {transform_indices = @transform_3, window_bounds = array<i64: 512, 4, 1024>}, {transform_indices = @transform_4, window_bounds = array<i64: 512, 4>}, {transform_indices = @transform_5, window_bounds = array<i64: 512, 4>}]} {
    %iota3A = tpu.iota {dimensions = array<i32: 1>} : vector<512x1024xi32>
    %get3A = arith.constant 0 : index
    %get3A_0 = arith.constant 0 : index
    %get3A_1 = vector.load %arg1[%get3A, %get3A_0] : memref<512x256xf32, #tpu.memory_space<vmem>>, vector<512x64xf32>
    %mul3A = arith.mulf %get3A_1, %get3A_1 : vector<512x64xf32>
    %concatenate3A = tpu.concatenate %get3A_1, %mul3A in 1 : vector<512x64xf32>, vector<512x64xf32> -> vector<512x128xf32>
    %get3A_2 = arith.constant 0 : index
    %get3A_3 = arith.constant 0 : index
    %get3A_4 = arith.constant 0 : index
    %get3A_5 = vector.load %arg2[%get3A_2, %get3A_3, %get3A_4] : memref<4x1024x128xf32, #tpu.memory_space<vmem>>, vector<1x1024x128xf32>
    %get3A_6 = vector.shape_cast %get3A_5 : vector<1x1024x128xf32> to vector<1024x128xf32>
    %dot_general3A = arith.constant dense<0.000000e+00> : vector<512x1024xf32>
    %dot_general3A_7 = tpu.matmul %concatenate3A, %get3A_6, %dot_general3A {dimension_numbers = #tpu.dot_dimension_numbers<[1], [1], [0], [0], [0, 0, 1, 0], [], []>, transpose_lhs_hint = false} : vector<512x128xf32>, vector<1024x128xf32>, vector<512x1024xf32> -> vector<512x1024xf32>
    %get3A_8 = arith.constant 0 : index
    %get3A_9 = arith.constant 0 : index
    %get3A_10 = vector.load %arg3[%get3A_8, %get3A_9] : memref<4x1024xf32, #tpu.memory_space<vmem>>, vector<1x1024xf32>
    %sub3A = vector.broadcast %get3A_10 : vector<1x1024xf32> to vector<512x1024xf32>
    %sub3A_11 = arith.subf %dot_general3A_7, %sub3A : vector<512x1024xf32>
    %swap3A = arith.constant 0 : index
    %swap3A_12 = arith.constant 0 : index
    %swap3A_13 = arith.constant 0 : index
    %swap3A_14 = vector.load %arg4[%swap3A, %swap3A_12, %swap3A_13] : memref<512x4x1024xf32, #tpu.memory_space<vmem>>, vector<512x1x1024xf32>
    %swap3A_15 = vector.shape_cast %swap3A_14 : vector<512x1x1024xf32> to vector<512x1024xf32>
    %swap3A_16 = vector.shape_cast %sub3A_11 : vector<512x1024xf32> to vector<512x1x1024xf32>
    tpu.vector_store %arg4[%swap3A, %swap3A_12, %swap3A_13], %swap3A_16 {strides = array<i32>} : memref<512x4x1024xf32, #tpu.memory_space<vmem>>, vector<512x1x1024xf32>,
    %reduce_max3A = arith.constant dense<0xFF800000> : vector<512xf32>
    %reduce_max3A_17 = vector.multi_reduction <maximumf>, %sub3A_11, %reduce_max3A [1] : vector<512x1024xf32> to vector<512xf32>
    %broadcast_in_dim3A = vector.shape_cast %reduce_max3A_17 : vector<512xf32> to vector<512x1xf32>
    %eq3A = vector.broadcast %broadcast_in_dim3A : vector<512x1xf32> to vector<512x1024xf32>
    %eq3A_18 = arith.cmpf oeq, %sub3A_11, %eq3A : vector<512x1024xf32>
    %jit3A = arith.constant 1024 : i32
    %broadcast_in_dim3A_19 = vector.broadcast %jit3A : i32 to vector<512x1024xi32>
    %select_n3A = arith.select %eq3A_18, %iota3A, %broadcast_in_dim3A_19 : vector<512x1024xi1>, vector<512x1024xi32>
    %reduce_min3A = arith.constant dense<2147483647> : vector<512xi32>
    %reduce_min3A_20 = vector.multi_reduction <minsi>, %select_n3A, %reduce_min3A [1] : vector<512x1024xi32> to vector<512xi32>
    %broadcast_in_dim3A_21 = vector.shape_cast %reduce_min3A_20 : vector<512xi32> to vector<512x1xi32>
    %add3A = arith.constant 0 : i32
    %add3A_22 = vector.broadcast %add3A : i32 to vector<512x1xi32>
    %add3A_23 = arith.addi %broadcast_in_dim3A_21, %add3A_22 : vector<512x1xi32>
    %get3A_24 = arith.constant 0 : index
    %get3A_25 = arith.constant 64 : index
    %get3A_26 = vector.load %arg1[%get3A_24, %get3A_25] : memref<512x256xf32, #tpu.memory_space<vmem>>, vector<512x64xf32>
    %mul3A_27 = arith.mulf %get3A_26, %get3A_26 : vector<512x64xf32>
    %concatenate3A_28 = tpu.concatenate %get3A_26, %mul3A_27 in 1 : vector<512x64xf32>, vector<512x64xf32> -> vector<512x128xf32>
    %get3A_29 = arith.constant 1 : index
    %get3A_30 = arith.constant 0 : index
    %get3A_31 = arith.constant 0 : index
    %get3A_32 = vector.load %arg2[%get3A_29, %get3A_30, %get3A_31] : memref<4x1024x128xf32, #tpu.memory_space<vmem>>, vector<1x1024x128xf32>
    %get3A_33 = vector.shape_cast %get3A_32 : vector<1x1024x128xf32> to vector<1024x128xf32>
    %dot_general3A_34 = arith.constant dense<0.000000e+00> : vector<512x1024xf32>
    %dot_general3A_35 = tpu.matmul %concatenate3A_28, %get3A_33, %dot_general3A_34 {dimension_numbers = #tpu.dot_dimension_numbers<[1], [1], [0], [0], [0, 0, 1, 0], [], []>, transpose_lhs_hint = false} : vector<512x128xf32>, vector<1024x128xf32>, vector<512x1024xf32> -> vector<512x1024xf32>
    %get3A_36 = arith.constant 1 : index
    %get3A_37 = arith.constant 0 : index
    %get3A_38 = vector.load %arg3[%get3A_36, %get3A_37] : memref<4x1024xf32, #tpu.memory_space<vmem>>, vector<1x1024xf32>
    %sub3A_39 = vector.broadcast %get3A_38 : vector<1x1024xf32> to vector<512x1024xf32>
    %sub3A_40 = arith.subf %dot_general3A_35, %sub3A_39 : vector<512x1024xf32>
    %swap3A_41 = arith.constant 0 : index
    %swap3A_42 = arith.constant 1 : index
    %swap3A_43 = arith.constant 0 : index
    %swap3A_44 = vector.load %arg4[%swap3A_41, %swap3A_42, %swap3A_43] : memref<512x4x1024xf32, #tpu.memory_space<vmem>>, vector<512x1x1024xf32>
    %swap3A_45 = vector.shape_cast %swap3A_44 : vector<512x1x1024xf32> to vector<512x1024xf32>
    %swap3A_46 = vector.shape_cast %sub3A_40 : vector<512x1024xf32> to vector<512x1x1024xf32>
    tpu.vector_store %arg4[%swap3A_41, %swap3A_42, %swap3A_43], %swap3A_46 {strides = array<i32>} : memref<512x4x1024xf32, #tpu.memory_space<vmem>>, vector<512x1x1024xf32>,
    %reduce_max3A_47 = arith.constant dense<0xFF800000> : vector<512xf32>
    %reduce_max3A_48 = vector.multi_reduction <maximumf>, %sub3A_40, %reduce_max3A_47 [1] : vector<512x1024xf32> to vector<512xf32>
    %broadcast_in_dim3A_49 = vector.shape_cast %reduce_max3A_48 : vector<512xf32> to vector<512x1xf32>
    %eq3A_50 = vector.broadcast %broadcast_in_dim3A_49 : vector<512x1xf32> to vector<512x1024xf32>
    %eq3A_51 = arith.cmpf oeq, %sub3A_40, %eq3A_50 : vector<512x1024xf32>
    %jit3A_52 = arith.constant 1024 : i32
    %broadcast_in_dim3A_53 = vector.broadcast %jit3A_52 : i32 to vector<512x1024xi32>
    %select_n3A_54 = arith.select %eq3A_51, %iota3A, %broadcast_in_dim3A_53 : vector<512x1024xi1>, vector<512x1024xi32>
    %reduce_min3A_55 = arith.constant dense<2147483647> : vector<512xi32>
    %reduce_min3A_56 = vector.multi_reduction <minsi>, %select_n3A_54, %reduce_min3A_55 [1] : vector<512x1024xi32> to vector<512xi32>
    %broadcast_in_dim3A_57 = vector.shape_cast %reduce_min3A_56 : vector<512xi32> to vector<512x1xi32>
    %add3A_58 = arith.constant 1024 : i32
    %add3A_59 = vector.broadcast %add3A_58 : i32 to vector<512x1xi32>
    %add3A_60 = arith.addi %broadcast_in_dim3A_57, %add3A_59 : vector<512x1xi32>
    %get3A_61 = arith.constant 0 : index
    %get3A_62 = arith.constant 128 : index
    %get3A_63 = vector.load %arg1[%get3A_61, %get3A_62] : memref<512x256xf32, #tpu.memory_space<vmem>>, vector<512x64xf32>
    %mul3A_64 = arith.mulf %get3A_63, %get3A_63 : vector<512x64xf32>
    %concatenate3A_65 = tpu.concatenate %get3A_63, %mul3A_64 in 1 : vector<512x64xf32>, vector<512x64xf32> -> vector<512x128xf32>
    %get3A_66 = arith.constant 2 : index
    %get3A_67 = arith.constant 0 : index
    %get3A_68 = arith.constant 0 : index
    %get3A_69 = vector.load %arg2[%get3A_66, %get3A_67, %get3A_68] : memref<4x1024x128xf32, #tpu.memory_space<vmem>>, vector<1x1024x128xf32>
    %get3A_70 = vector.shape_cast %get3A_69 : vector<1x1024x128xf32> to vector<1024x128xf32>
    %dot_general3A_71 = arith.constant dense<0.000000e+00> : vector<512x1024xf32>
    %dot_general3A_72 = tpu.matmul %concatenate3A_65, %get3A_70, %dot_general3A_71 {dimension_numbers = #tpu.dot_dimension_numbers<[1], [1], [0], [0], [0, 0, 1, 0], [], []>, transpose_lhs_hint = false} : vector<512x128xf32>, vector<1024x128xf32>, vector<512x1024xf32> -> vector<512x1024xf32>
    %get3A_73 = arith.constant 2 : index
    %get3A_74 = arith.constant 0 : index
    %get3A_75 = vector.load %arg3[%get3A_73, %get3A_74] : memref<4x1024xf32, #tpu.memory_space<vmem>>, vector<1x1024xf32>
    %sub3A_76 = vector.broadcast %get3A_75 : vector<1x1024xf32> to vector<512x1024xf32>
    %sub3A_77 = arith.subf %dot_general3A_72, %sub3A_76 : vector<512x1024xf32>
    %swap3A_78 = arith.constant 0 : index
    %swap3A_79 = arith.constant 2 : index
    %swap3A_80 = arith.constant 0 : index
    %swap3A_81 = vector.load %arg4[%swap3A_78, %swap3A_79, %swap3A_80] : memref<512x4x1024xf32, #tpu.memory_space<vmem>>, vector<512x1x1024xf32>
    %swap3A_82 = vector.shape_cast %swap3A_81 : vector<512x1x1024xf32> to vector<512x1024xf32>
    %swap3A_83 = vector.shape_cast %sub3A_77 : vector<512x1024xf32> to vector<512x1x1024xf32>
    tpu.vector_store %arg4[%swap3A_78, %swap3A_79, %swap3A_80], %swap3A_83 {strides = array<i32>} : memref<512x4x1024xf32, #tpu.memory_space<vmem>>, vector<512x1x1024xf32>,
    %reduce_max3A_84 = arith.constant dense<0xFF800000> : vector<512xf32>
    %reduce_max3A_85 = vector.multi_reduction <maximumf>, %sub3A_77, %reduce_max3A_84 [1] : vector<512x1024xf32> to vector<512xf32>
    %broadcast_in_dim3A_86 = vector.shape_cast %reduce_max3A_85 : vector<512xf32> to vector<512x1xf32>
    %eq3A_87 = vector.broadcast %broadcast_in_dim3A_86 : vector<512x1xf32> to vector<512x1024xf32>
    %eq3A_88 = arith.cmpf oeq, %sub3A_77, %eq3A_87 : vector<512x1024xf32>
    %jit3A_89 = arith.constant 1024 : i32
    %broadcast_in_dim3A_90 = vector.broadcast %jit3A_89 : i32 to vector<512x1024xi32>
    %select_n3A_91 = arith.select %eq3A_88, %iota3A, %broadcast_in_dim3A_90 : vector<512x1024xi1>, vector<512x1024xi32>
    %reduce_min3A_92 = arith.constant dense<2147483647> : vector<512xi32>
    %reduce_min3A_93 = vector.multi_reduction <minsi>, %select_n3A_91, %reduce_min3A_92 [1] : vector<512x1024xi32> to vector<512xi32>
    %broadcast_in_dim3A_94 = vector.shape_cast %reduce_min3A_93 : vector<512xi32> to vector<512x1xi32>
    %add3A_95 = arith.constant 2048 : i32
    %add3A_96 = vector.broadcast %add3A_95 : i32 to vector<512x1xi32>
    %add3A_97 = arith.addi %broadcast_in_dim3A_94, %add3A_96 : vector<512x1xi32>
    %get3A_98 = arith.constant 0 : index
    %get3A_99 = arith.constant 192 : index
    %get3A_100 = vector.load %arg1[%get3A_98, %get3A_99] : memref<512x256xf32, #tpu.memory_space<vmem>>, vector<512x64xf32>
    %mul3A_101 = arith.mulf %get3A_100, %get3A_100 : vector<512x64xf32>
    %concatenate3A_102 = tpu.concatenate %get3A_100, %mul3A_101 in 1 : vector<512x64xf32>, vector<512x64xf32> -> vector<512x128xf32>
    %get3A_103 = arith.constant 3 : index
    %get3A_104 = arith.constant 0 : index
    %get3A_105 = arith.constant 0 : index
    %get3A_106 = vector.load %arg2[%get3A_103, %get3A_104, %get3A_105] : memref<4x1024x128xf32, #tpu.memory_space<vmem>>, vector<1x1024x128xf32>
    %get3A_107 = vector.shape_cast %get3A_106 : vector<1x1024x128xf32> to vector<1024x128xf32>
    %dot_general3A_108 = arith.constant dense<0.000000e+00> : vector<512x1024xf32>
    %dot_general3A_109 = tpu.matmul %concatenate3A_102, %get3A_107, %dot_general3A_108 {dimension_numbers = #tpu.dot_dimension_numbers<[1], [1], [0], [0], [0, 0, 1, 0], [], []>, transpose_lhs_hint = false} : vector<512x128xf32>, vector<1024x128xf32>, vector<512x1024xf32> -> vector<512x1024xf32>
    %get3A_110 = arith.constant 3 : index
    %get3A_111 = arith.constant 0 : index
    %get3A_112 = vector.load %arg3[%get3A_110, %get3A_111] : memref<4x1024xf32, #tpu.memory_space<vmem>>, vector<1x1024xf32>
    %sub3A_113 = vector.broadcast %get3A_112 : vector<1x1024xf32> to vector<512x1024xf32>
    %sub3A_114 = arith.subf %dot_general3A_109, %sub3A_113 : vector<512x1024xf32>
    %swap3A_115 = arith.constant 0 : index
    %swap3A_116 = arith.constant 3 : index
    %swap3A_117 = arith.constant 0 : index
    %swap3A_118 = vector.load %arg4[%swap3A_115, %swap3A_116, %swap3A_117] : memref<512x4x1024xf32, #tpu.memory_space<vmem>>, vector<512x1x1024xf32>
    %swap3A_119 = vector.shape_cast %swap3A_118 : vector<512x1x1024xf32> to vector<512x1024xf32>
    %swap3A_120 = vector.shape_cast %sub3A_114 : vector<512x1024xf32> to vector<512x1x1024xf32>
    tpu.vector_store %arg4[%swap3A_115, %swap3A_116, %swap3A_117], %swap3A_120 {strides = array<i32>} : memref<512x4x1024xf32, #tpu.memory_space<vmem>>, vector<512x1x1024xf32>,
    %reduce_max3A_121 = arith.constant dense<0xFF800000> : vector<512xf32>
    %reduce_max3A_122 = vector.multi_reduction <maximumf>, %sub3A_114, %reduce_max3A_121 [1] : vector<512x1024xf32> to vector<512xf32>
    %broadcast_in_dim3A_123 = vector.shape_cast %reduce_max3A_122 : vector<512xf32> to vector<512x1xf32>
    %eq3A_124 = vector.broadcast %broadcast_in_dim3A_123 : vector<512x1xf32> to vector<512x1024xf32>
    %eq3A_125 = arith.cmpf oeq, %sub3A_114, %eq3A_124 : vector<512x1024xf32>
    %jit3A_126 = arith.constant 1024 : i32
    %broadcast_in_dim3A_127 = vector.broadcast %jit3A_126 : i32 to vector<512x1024xi32>
    %select_n3A_128 = arith.select %eq3A_125, %iota3A, %broadcast_in_dim3A_127 : vector<512x1024xi1>, vector<512x1024xi32>
    %reduce_min3A_129 = arith.constant dense<2147483647> : vector<512xi32>
    %reduce_min3A_130 = vector.multi_reduction <minsi>, %select_n3A_128, %reduce_min3A_129 [1] : vector<512x1024xi32> to vector<512xi32>
    %broadcast_in_dim3A_131 = vector.shape_cast %reduce_min3A_130 : vector<512xi32> to vector<512x1xi32>
    %add3A_132 = arith.constant 3072 : i32
    %add3A_133 = vector.broadcast %add3A_132 : i32 to vector<512x1xi32>
    %add3A_134 = arith.addi %broadcast_in_dim3A_131, %add3A_133 : vector<512x1xi32>
    %concatenate3A_135 = tpu.concatenate %broadcast_in_dim3A_21, %broadcast_in_dim3A_57, %broadcast_in_dim3A_94, %broadcast_in_dim3A_131 in 1 : vector<512x1xi32>, vector<512x1xi32>, vector<512x1xi32>, vector<512x1xi32> -> vector<512x4xi32>
    %swap3A_136 = arith.constant 0 : index
    %swap3A_137 = arith.constant 0 : index
    %swap3A_138 = vector.load %arg5[%swap3A_136, %swap3A_137] : memref<512x4xi32, #tpu.memory_space<vmem>>, vector<512x4xi32>
    tpu.vector_store %arg5[%swap3A_136, %swap3A_137], %concatenate3A_135 {strides = array<i32>} : memref<512x4xi32, #tpu.memory_space<vmem>>, vector<512x4xi32>,
    %concatenate3A_139 = tpu.concatenate %add3A_23, %add3A_60, %add3A_97, %add3A_134 in 1 : vector<512x1xi32>, vector<512x1xi32>, vector<512x1xi32>, vector<512x1xi32> -> vector<512x4xi32>
    %swap3A_140 = arith.constant 0 : index
    %swap3A_141 = arith.constant 0 : index
    %swap3A_142 = vector.load %arg6[%swap3A_140, %swap3A_141] : memref<512x4xi32, #tpu.memory_space<vmem>>, vector<512x4xi32>
    tpu.vector_store %arg6[%swap3A_140, %swap3A_141], %concatenate3A_139 {strides = array<i32>} : memref<512x4xi32, #tpu.memory_space<vmem>>, vector<512x4xi32>,
    return
  }
  func.func @transform_0(%arg0: i32) -> (i32, i32) {
    %c0_i32 = arith.constant 0 : i32
    %c0_i32_0 = arith.constant 0 : i32
    return %arg0, %c0_i32 : i32, i32
  }
  func.func @transform_1(%arg0: i32) -> (i32, i32, i32) {
    %c0_i32 = arith.constant 0 : i32
    %c0_i32_0 = arith.constant 0 : i32
    %c0_i32_1 = arith.constant 0 : i32
    %c0_i32_2 = arith.constant 0 : i32
    return %c0_i32, %c0_i32_0, %c0_i32_1 : i32, i32, i32
  }
  func.func @transform_2(%arg0: i32) -> (i32, i32) {
    %c0_i32 = arith.constant 0 : i32
    %c0_i32_0 = arith.constant 0 : i32
    %c0_i32_1 = arith.constant 0 : i32
    return %c0_i32, %c0_i32_0 : i32, i32
  }
  func.func @transform_3(%arg0: i32) -> (i32, i32, i32) {
    %c0_i32 = arith.constant 0 : i32
    %c0_i32_0 = arith.constant 0 : i32
    %c0_i32_1 = arith.constant 0 : i32
    return %arg0, %c0_i32, %c0_i32_0 : i32, i32, i32
  }
  func.func @transform_4(%arg0: i32) -> (i32, i32) {
    %c0_i32 = arith.constant 0 : i32
    %c0_i32_0 = arith.constant 0 : i32
    return %arg0, %c0_i32 : i32, i32
  }
  func.func @transform_5(%arg0: i32) -> (i32, i32) {
    %c0_i32 = arith.constant 0 : i32
    %c0_i32_0 = arith.constant 0 : i32
    return %arg0, %c0_i32 : i32, i32
  }
}

</mosaic_0001>

<sc_bundles>
// kernel: kernel.4.cloned.1.call-start
scs
__scs_entry_jumppad:
0x0: {  	(pc) =	sbr.rel $0x88, $3  }
0x1: {  	(tag) =	ssettag $0x0;
	lr =	simm.s32 $0x1  }
0x2: {  	[smem:$0x3F9F] =	sst lr;
	_ =	strace $0xD0000000  }
0x3: {  	_ = 	snop  }
0x4: {  	_ = 	snop  }
0x5: {  	_ = 	snop  }
0x6: {  	_ = 	snop  }
0x7: {  	_ = 	snop  }
__scs_overlays_trampoline_lowered:
0x8: {  	[smem:$0x3FAE] =	sst s0  }
0x9: {  	[smem:$0x3FAF] =	sst s1  }
0xa: {  	[smem:$0x3FB0] =	sst s2  }
0xb: {  	[smem:$0x3FB1] =	sst s3  }
0xc: {  	[smem:$0x3FB2] =	sst s4  }
0xd: {  	[smem:$0x3FB3] =	sst s5  }
0xe: {  	[smem:$0x3FB4] =	sst s6  }
0xf: {  	[smem:$0x3FB5] =	sst s7  }
0x10: {  	[smem:$0x3FB6] =	sst s8  }
0x11: {  	[smem:$0x3FB7] =	sst s9;
	s0 =	simm.s32 @!p0 $0x0  }
0x12: {  	s1 =	sld [smem:$0x3F9D];
	s0 =	simm.s32 @p0 $0x1  }
0x13: {  	[smem:$0x3FB8] =	sst s0;
	s0 =	simm.s32 @!p1 $0x0  }
0x14: {  	s2 =	sld [smem:$0x3F9C];
	s0 =	simm.s32 @p1 $0x1  }
0x15: {  	[smem:$0x3FB9] =	sst s0;
	s0 =	simm.s32 @!p2 $0x0  }
0x16: {  	s3 =	sld [smem:$0x3FDB];
	s0 =	simm.s32 @p2 $0x1  }
0x17: {  	s4 =	simm.s32 $0x1BF5;
	[smem:$0x3FBB] =	sst s0  }
0x18: {  	s0 =	sld [smem:$0x3F9E];
	_ =	swait.ge [sflag:s4], $0x0  }
0x19: {  	s7 =	sld [smem:$0x3F9F]  }
0x1a: {  	s8 =	sadd.s32 $0xFFFFE003, lr  }
0x1b: {  	s9 =	sadd.s32 $0xFFFFFEF7, lr;
	s5 =	simm.s32 $0xFFFFFFFF;
	p2 =	slt.u32 s8, $0xFFFFF086  }
0x1c: {  	p1 =	slt.u32 s9, $0xF7A;
	s5 =	simm.s32 @!p2 $0x0  }
0x1d: {  	s5 =	simm.s32 @p1 $0x1;
	p0 =	seq.s32 s7, s2  }
0x1e: {  	s7 =	smul.u32 @!p0 $0xF7A, s2;
	p2 =	seq.s32 @!p0 s5, $0x0  }
0x1f: {  	s9 =	smul.u32 $0xF7A, s1;
	s8 =	simm.s32 @!p0 $0x1BF5;
	p2 =	por !p2, p0  }
0x20: {  	[sflag:s8] =	ssyncset.s32 @!p0 $0xFFFFF086;
	s6 =	sadd.s32 @!p0 s3, s7;
	s7 =	simm.s32 @!p0 $0x108  }
0x21: {  	s3 =	sadd.s32 s3, s9;
	s6 =	sadd.s32 @!p0 $0x88, s6;
	s7 =	simm.s32 @p2 $0x1082  }
0x22: {  	[simem:s7], [sflag:s8] =	dma.local @!p0 [hbm:s6], $0xF7A  }
0x23: {  	s9 =	sor.u32 $0xD0000000, s2;
	s6 =	simm.s32 $0x108;
	_ =	swait.ge @!p0 [sflag:s8], $0x0  }
0x24: {  	s3 =	sadd.s32 $0x88, s3;
	s6 =	simm.s32 @!p1 $0x1082;
	[sflag:s4] =	ssyncset.s32 $0xFFFFF086  }
0x25: {  	[simem:s6], [sflag:s4] =	dma.local [hbm:s3], $0xF7A  }
0x26: {  	[smem:$0x3F9F] =	sst s1;
	(tag) =	ssettag s2;
	_ =	strace s9  }
0x27: {  	s1 =	sld [smem:$0x3FAF]  }
0x28: {  	s2 =	sld [smem:$0x3FB0]  }
0x29: {  	s4 =	sld [smem:$0x3FB2]  }
0x2a: {  	p0 =	seq.s32 s5, $0x0;
	s5 =	sld [smem:$0x3FB3]  }
0x2b: {  	s6 =	sld [smem:$0x3FB4]  }
0x2c: {  	s7 =	sld [smem:$0x3FB5]  }
0x2d: {  	s3 =	simm.s32 $0x108;
	s8 =	sld [smem:$0x3FB6]  }
0x2e: {  	s3 =	simm.s32 @!p0 $0x1082;
	s9 =	sld [smem:$0x3FB7]  }
0x2f: {  	lr =	sadd.s32 s0, s3;
	s0 =	sld [smem:$0x3FAE]  }
0x30: {  	s3 =	sld [smem:$0x3FB1]  }
0x31: {  	[smem:$0x3FBA] =	sst s10  }
0x32: {  	s10 =	sld [smem:$0x3FB8];
	_ =	sdelay $0x3  }
0x33: {  	p0 =	seq.s32 s10, $0x1;
	s10 =	sld [smem:$0x3FBA];
	_ =	sdelay $0x3  }
0x34: {  	[smem:$0x3FBA] =	sst s10  }
0x35: {  	s10 =	sld [smem:$0x3FB9];
	_ =	sdelay $0x3  }
0x36: {  	p1 =	seq.s32 s10, $0x1;
	s10 =	sld [smem:$0x3FBA];
	_ =	sdelay $0x3  }
0x37: {  	[smem:$0x3FBA] =	sst s10  }
0x38: {  	s10 =	sld [smem:$0x3FBB]  }
0x39: {  	_ = 	snop;
	(pc) =	sbr.ind lr, $3  }
0x3a: {  	_ = 	snop  }
0x3b: {  	_ = 	snop  }
0x3c: {  	p2 =	seq.s32 s10, $0x1;
	s10 =	sld [smem:$0x3FBA]  }
0x3d: {  	_ =	shalt  }
0x3e: {  	_ =	shalt  }
0x3f: {  	_ =	shalt  }
0x40: {  	_ =	shalt  }
0x41: {  	_ =	shalt  }
0x42: {  	_ =	shalt  }
0x43: {  	_ =	shalt  }
0x44: {  	_ =	shalt  }
0x45: {  	_ =	shalt  }
0x46: {  	_ =	shalt  }
0x47: {  	_ =	shalt  }
0x48: {  	_ =	shalt  }
0x49: {  	_ =	shalt  }
0x4a: {  	_ =	shalt  }
0x4b: {  	_ =	shalt  }
0x4c: {  	_ =	shalt  }
0x4d: {  	_ =	shalt  }
0x4e: {  	_ =	shalt  }
0x4f: {  	_ =	shalt  }
0x50: {  	_ =	shalt  }
0x51: {  	_ =	shalt  }
0x52: {  	_ =	shalt  }
0x53: {  	_ =	shalt  }
0x54: {  	_ =	shalt  }
0x55: {  	_ =	shalt  }
0x56: {  	_ =	shalt  }
0x57: {  	_ =	shalt  }
0x58: {  	_ =	shalt  }
0x59: {  	_ =	shalt  }
0x5a: {  	_ =	shalt  }
0x5b: {  	_ =	shalt  }
0x5c: {  	_ =	shalt  }
0x5d: {  	_ =	shalt  }
0x5e: {  	_ =	shalt  }
0x5f: {  	_ =	shalt  }
0x60: {  	_ =	shalt  }
0x61: {  	_ =	shalt  }
0x62: {  	_ =	shalt  }
0x63: {  	_ =	shalt  }
0x64: {  	_ =	shalt  }
0x65: {  	_ =	shalt  }
0x66: {  	_ =	shalt  }
0x67: {  	_ =	shalt  }
0x68: {  	_ =	shalt  }
0x69: {  	_ =	shalt  }
0x6a: {  	_ =	shalt  }
0x6b: {  	_ =	shalt  }
0x6c: {  	_ =	shalt  }
0x6d: {  	_ =	shalt  }
0x6e: {  	_ =	shalt  }
0x6f: {  	_ =	shalt  }
0x70: {  	_ =	shalt  }
0x71: {  	_ =	shalt  }
0x72: {  	_ =	shalt  }
0x73: {  	_ =	shalt  }
0x74: {  	_ =	shalt  }
0x75: {  	_ =	shalt  }
0x76: {  	_ =	shalt  }
0x77: {  	_ =	shalt  }
0x78: {  	_ =	shalt  }
0x79: {  	_ =	shalt  }
0x7a: {  	_ =	shalt  }
0x7b: {  	_ =	shalt  }
0x7c: {  	_ =	shalt  }
0x7d: {  	_ =	shalt  }
0x7e: {  	_ =	shalt  }
0x7f: {  	_ =	shalt  }
0x80: {  	_ =	shalt  }
0x81: {  	_ =	shalt  }
0x82: {  	_ =	shalt  }
0x83: {  	_ =	shalt  }
0x84: {  	_ =	shalt  }
0x85: {  	_ =	shalt  }
0x86: {  	_ =	shalt  }
0x87: {  	_ =	shalt  }
.Lfunc_end0:
.L_simem_size_0:
called_computation_lowered:
.L_overlay_start_0:
0x88: {  	s2 =	sld [smem:$0x3FD9]  }
0x89: {  	s3 =	sld [smem:$0x3FFE];
	_ =	sdelay $0x1  }
0x8a: {  	s1 =	srdreg.scid  }
0x8b: {  	s0 =	sand.u32 $0x1, s1  }
0x8c: {  	s14 =	sshll.u32 s0, $0xA;
	s2 =	sadd.s32 s3, s2  }
0x8d: {  	s2 =	sadd.s32 s2, s14  }
0x8e: {  	[smem:$0x3FC6] =	sst s2  }
0x8f: {  	_ = 	snop  }
0x90: {  	s2 =	sld [smem:$0x3FD0];
	_ =	sdelay $0x2  }
0x91: {  	s15 =	simm.s32 $0xA;
	s4 =	simm.s32 $0x10  }
0x92: {  	[smem:s4], [sflag:s15] =	dma.local [hbm:s2], $0x1  }
0x93: {  	_ =	swait.eq [sflag:s15], $0x1  }
0x94: {  	[sflag:s15] =	ssyncset.done $0x0  }
0x95: {  	[sflag:s15] =	ssyncadd.s32 $0xFFFFFFFF  }
0x96: {  	s16 =	sld [smem:$0x10];
	(tm) =	ssettm $0x1  }
0x97: {  	s17 =	sld [smem:$0x3FFB];
	_ =	sdelay $0x3  }
0x98: {  	_ =	strace s17  }
0x99: {  	s3 =	sld [smem:$0x3FFC];
	_ =	sdelay $0x3  }
0x9a: {  	_ =	strace s3  }
0x9b: {  	s3 =	sld [smem:$0x3FFD];
	_ =	sdelay $0x3  }
0x9c: {  	_ =	strace s3  }
0x9d: {  	_ =	strace $0x8FFFFFFF  }
0x9e: {  	s18 =	sld [smem:$0x3FDB];
	_ =	sdelay $0x1  }
0x9f: {  	s19 =	simm.s32 $_scs_section_size  }
0xa0: {  	s5 =	simm.s32 $_size__tile_overlayer_lowered;
	s6 =	simm.s32 $_tile_overlayer_lowered  }
0xa1: {  	s22 =	simm.s32 $0x1BFF;
	s21 =	sshll.u32 s6, $0x1;
	s3 =	sadd.s32 s19, s18  }
0xa2: {  	s7 =	simm.s32 $0x0;
	s20 =	sshll.u32 s5, $0x1;
	s5 =	sadd.s32 s21, s3  }
0xa3: {  	[timem:s7], [sflag:s22] =	dma.local [hbm:s5], s20  }
0xa4: {  	_ =	swait.ge [sflag:s22], s20  }
0xa5: {  	s4 =	ssub.s32 $0x0, s20;
	[sflag:s22] =	ssyncset.done $0x0  }
0xa6: {  	[sflag:s22] =	ssyncadd.s32 s4;
	_ =	sdelay $0x1  }
0xa7: {  	s23 =	simm.s32 $0x1B8B  }
0xa8: {  	_ =	swait.ge [sflag:s23], $0x1  }
0xa9: {  	[sflag:s23] =	ssyncset.done $0x0  }
0xaa: {  	s25 =	simm.s32 $0x1B8E;
	s24 =	sld [smem:$0x3FFE];
	[sflag:s23] =	ssyncadd.s32 $0xFFFFFFFF  }
0xab: {  	s26 =	simm.s32 $execute0_lowered;
	[smem:$0x3FD2] =	sst s25  }
0xac: {  	s5 =	sshll.u32 s26, $0x1;
	_ =	strace $0x80000046;
	[dreg:$0x1] =	wrdreg $0xFFFFFFFF  }
0xad: {  	s28 =	simm.s32 $_size_execute0_lowered;
	s3 =	sadd.s32 s3, s5;
	[dreg:$0x0] =	wrdreg $0x0  }
0xae: {  	s5 =	sshll.u32 s28, $0x1;
	[dreg:$0x2] =	wrdreg s3  }
0xaf: {  	[dreg:$0x3] =	wrdreg s5  }
0xb0: {  	[dreg:$0x4] =	wrdreg $0xC0  }
0xb1: {  	_ =	task [dreg:s7], $0x5FFFF  }
0xb2: {  	[dreg:$0x1] =	wrdreg $0xFFFFFFFF  }
0xb3: {  	[dreg:$0x0] =	wrdreg $0x60  }
0xb4: {  	[dreg:$0x2] =	wrdreg s16  }
0xb5: {  	[dreg:$0x3] =	wrdreg s24  }
0xb6: {  	[dreg:$0x4] =	wrdreg $0x9  }
0xb7: {  	_ =	task.clear_ibuf [dreg:s7], $0x5FFFF;
	_ =	strace $0x90000046  }
0xb8: {  	s29 =	simm.s32 $0x9;
	_ =	strace $0x80000048  }
0xb9: {  	_ =	swait.ge [sflag:s29], $0x1  }
0xba: {  	[sflag:s29] =	ssyncadd.s32 $0xFFFFFFFF  }
0xbb: {  	_ =	strace $0x90000048  }
0xbc: {  	_ =	sfence  }
0xbd: {  	s30 =	sld [smem:$0x0];
	_ =	sdelay $0x2  }
0xbe: {  	s31 =	sshll.u32 s1, $0xD;
	s1 =	sshrl.u32 s1, $0x2  }
0xbf: {  	s3 =	sand.u32 $0x4000, s31;
	s1 =	sadd.s32 s1, s30  }
0xc0: {  	s0 =	sor.u32 s3, s0;
	s1 =	sshll.u32 s1, $0x11  }
0xc1: {  	s0 =	sor.u32 s1, s0  }
0xc2: {  	s0 =	sadd.s32 $0x8F2B, s0  }
0xc3: {  	[sflag:s0] =	ssyncadd.remote.s32 $0x1  }
0xc4: {  	_ =	sfence.sel $0xFFFF  }
0xc5: {  	[dreg:$0x0] =	wrdreg $0xFFFFFFFF;
	(pc) =	sbr.abs _section_cstart, $3  }
0xc6: {  	[dreg:$0x1] =	wrdreg $0xFFFFFFFF  }
0xc7: {  	_ =	task.clear_ibuf [dreg:s7], $0x2FFFF;
	_ =	strace $0x9FFFFFFF  }
0xc8: {  	(tm) =	ssettm $0x7FFFFFFF  }
0xc9: {  	_ =	shalt  }
tec
execute0_lowered:
.L_overlay_start_1:
0x0: {  	(tag) =	ssettag $0x1  }
0x1: {  	s2 =	rddreg [dreg:$0x0];
	s0 =	srdreg.scid  }
0x2: {  	s4 =	rddreg [dreg:$0x1];
	s1 =	stileid.u32;
	s31 =	sand.u32 $0x1, s0  }
0x3: {  	s3 =	simm.s32 $0x0;
	s1 =	sshll.u32 s1, $0xC;
	s5 =	sshll.u32 s31, $0xB  }
0x4: {  	[smem:$0x7FF] =	sst s3;
	s30 =	sadd.s32 $0x200, s4;
	s1 =	sor.u32 s5, s1  }
0x5: {  	s0 =	sadd.s32 $0x2200, s4;
	_ =	strace $0x80000047;
	s5 =	sshrl.u32 s1, $0x3  }
0x6: {  	s7 =	sshll.u32 s1, $0x4;
	s9 =	sor.u32 $0x80, s1;
	s6 =	sadd.s32 s30, s5  }
0x7: {  	s8 =	sadd.s32 s0, s7;
	s10 =	sshrl.u32 s9, $0x3;
	[dreg:$0x3] =	wrdreg s6  }
0x8: {  	s5 =	sshll.u32 s9, $0x4;
	[dreg:$0x4] =	wrdreg s8;
	s4 =	sadd.s32 s30, s10  }
0x9: {  	s16 =	sor.u32 $0x180, s1;
	s11 =	sadd.s32 s0, s5;
	[dreg:$0x5] =	wrdreg s4  }
0xa: {  	s17 =	sshrl.u32 s16, $0x3;
	s6 =	sor.u32 $0x100, s1;
	[dreg:$0x6] =	wrdreg s11  }
0xb: {  	s5 =	sshll.u32 s16, $0x4;
	s4 =	sadd.s32 s30, s17;
	s18 =	rddreg [dreg:$0x3]  }
0xc: {  	s12 =	sshrl.u32 s6, $0x3;
	s19 =	sadd.s32 s0, s5;
	[dreg:$0x9] =	wrdreg s4  }
0xd: {  	s14 =	sshll.u32 s6, $0x4;
	s13 =	sadd.s32 s30, s12;
	[dreg:$0xa] =	wrdreg s19  }
0xe: {  	[tilespmem:s3], [sflag:$0x2] =	stream.linear.gather [hbm4b:s18+s3], $0x80, $0x38;
	[tilespmem:$0x4080] =	vst v63  }
0xf: {  	s15 =	sadd.s32 s0, s14;
	[dreg:$0x7] =	wrdreg s13  }
0x10: {  	s4 =	simm.s32 $0x2;
	[dreg:$0x8] =	wrdreg s15  }
0x11: {  	_ =	swait.ge [sflag:s4], $0x80  }
0x12: {  	[sflag:s4] =	ssyncset.done $0x0  }
0x13: {  	s5 =	simm.s32 $0x80;
	s6 =	simm.s32 $0x1;
	[sflag:s4] =	ssyncadd.s32 $0xFFFFFF80  }
0x14: {  	[tilespmem:s5], [sflag:$0x1] =	stream.indirect.gather [hbm4b:s2+s5], $0x80, s3, s5, $0xb8;
	[tilespmem:$0x4080] =	vst v63  }
0x15: {  	_ =	swait.ge [sflag:s6], $0x4000  }
0x16: {  	[sflag:s6] =	ssyncset.done $0x0  }
0x17: {  	s7 =	rddreg [dreg:$0x4];
	[sflag:s6] =	ssyncadd.s32 $0xFFFFC000  }
0x18: {  	[hbm4b:s7+s3] =	stream.linear.scatter [tilespmem:s5], [sflag:$0x2], $0x4000, $0x38;
	[tilespmem:$0x4080] =	vst v63  }
0x19: {  	_ =	swait.ge [sflag:s4], $0x4000  }
0x1a: {  	[sflag:s4] =	ssyncset.done $0x0  }
0x1b: {  	s20 =	rddreg [dreg:$0x5];
	[sflag:s4] =	ssyncadd.s32 $0xFFFFC000  }
0x1c: {  	[tilespmem:s3], [sflag:$0x2] =	stream.linear.gather [hbm4b:s20+s3], $0x80, $0x38;
	[tilespmem:$0x4080] =	vst v63  }
0x1d: {  	_ =	swait.ge [sflag:s4], $0x80  }
0x1e: {  	[sflag:s4] =	ssyncset.done $0x0  }
0x1f: {  	[sflag:s4] =	ssyncadd.s32 $0xFFFFFF80  }
0x20: {  	[tilespmem:s5], [sflag:$0x1] =	stream.indirect.gather [hbm4b:s2+s5], $0x80, s3, s5, $0xb8;
	[tilespmem:$0x4080] =	vst v63  }
0x21: {  	_ =	swait.ge [sflag:s6], $0x4000  }
0x22: {  	[sflag:s6] =	ssyncset.done $0x0  }
0x23: {  	s21 =	rddreg [dreg:$0x6];
	[sflag:s6] =	ssyncadd.s32 $0xFFFFC000  }
0x24: {  	[hbm4b:s21+s3] =	stream.linear.scatter [tilespmem:s5], [sflag:$0x2], $0x4000, $0x38;
	[tilespmem:$0x4080] =	vst v63  }
0x25: {  	_ =	swait.ge [sflag:s4], $0x4000  }
0x26: {  	[sflag:s4] =	ssyncset.done $0x0  }
0x27: {  	s22 =	rddreg [dreg:$0x7];
	[sflag:s4] =	ssyncadd.s32 $0xFFFFC000  }
0x28: {  	[tilespmem:s3], [sflag:$0x2] =	stream.linear.gather [hbm4b:s22+s3], $0x80, $0x38;
	[tilespmem:$0x4080] =	vst v63  }
0x29: {  	_ =	swait.ge [sflag:s4], $0x80  }
0x2a: {  	[sflag:s4] =	ssyncset.done $0x0  }
0x2b: {  	[sflag:s4] =	ssyncadd.s32 $0xFFFFFF80  }
0x2c: {  	[tilespmem:s5], [sflag:$0x1] =	stream.indirect.gather [hbm4b:s2+s5], $0x80, s3, s5, $0xb8;
	[tilespmem:$0x4080] =	vst v63  }
0x2d: {  	_ =	swait.ge [sflag:s6], $0x4000  }
0x2e: {  	[sflag:s6] =	ssyncset.done $0x0  }
0x2f: {  	s23 =	rddreg [dreg:$0x8];
	[sflag:s6] =	ssyncadd.s32 $0xFFFFC000  }
0x30: {  	[hbm4b:s23+s3] =	stream.linear.scatter [tilespmem:s5], [sflag:$0x2], $0x4000, $0x38;
	[tilespmem:$0x4080] =	vst v63  }
0x31: {  	_ =	swait.ge [sflag:s4], $0x4000  }
0x32: {  	[sflag:s4] =	ssyncset.done $0x0  }
0x33: {  	s24 =	rddreg [dreg:$0x9];
	[sflag:s4] =	ssyncadd.s32 $0xFFFFC000  }
0x34: {  	[tilespmem:s3], [sflag:$0x2] =	stream.linear.gather [hbm4b:s24+s3], $0x80, $0x38;
	[tilespmem:$0x4080] =	vst v63  }
0x35: {  	_ =	swait.ge [sflag:s4], $0x80  }
0x36: {  	[sflag:s4] =	ssyncset.done $0x0  }
0x37: {  	[sflag:s4] =	ssyncadd.s32 $0xFFFFFF80  }
0x38: {  	[tilespmem:s5], [sflag:$0x1] =	stream.indirect.gather [hbm4b:s2+s5], $0x80, s3, s5, $0xb8;
	[tilespmem:$0x4080] =	vst v63  }
0x39: {  	_ =	swait.ge [sflag:s6], $0x4000  }
0x3a: {  	[sflag:s6] =	ssyncset.done $0x0  }
0x3b: {  	s25 =	rddreg [dreg:$0xa];
	[sflag:s6] =	ssyncadd.s32 $0xFFFFC000  }
0x3c: {  	[hbm4b:s25+s3] =	stream.linear.scatter [tilespmem:s5], [sflag:$0x2], $0x4000, $0x38;
	[tilespmem:$0x4080] =	vst v63  }
0x3d: {  	s8 =	sor.u32 $0x200, s1;
	_ =	swait.ge [sflag:s4], $0x4000  }
0x3e: {  	s26 =	sshrl.u32 s8, $0x3;
	[sflag:s4] =	ssyncset.done $0x0  }
0x3f: {  	s7 =	sadd.s32 s30, s26;
	[sflag:s4] =	ssyncadd.s32 $0xFFFFC000  }
0x40: {  	[tilespmem:s3], [sflag:$0x2] =	stream.linear.gather [hbm4b:s7+s3], $0x80, $0x38;
	[tilespmem:$0x4080] =	vst v63  }
0x41: {  	_ =	swait.ge [sflag:s4], $0x80  }
0x42: {  	[sflag:s4] =	ssyncset.done $0x0  }
0x43: {  	[sflag:s4] =	ssyncadd.s32 $0xFFFFFF80  }
0x44: {  	[tilespmem:s5], [sflag:$0x1] =	stream.indirect.gather [hbm4b:s2+s5], $0x80, s3, s5, $0xb8;
	[tilespmem:$0x4080] =	vst v63  }
0x45: {  	_ =	swait.ge [sflag:s6], $0x4000  }
0x46: {  	s8 =	sshll.u32 s8, $0x4;
	[sflag:s6] =	ssyncset.done $0x0  }
0x47: {  	s8 =	sadd.s32 s0, s8;
	[sflag:s6] =	ssyncadd.s32 $0xFFFFC000  }
0x48: {  	[hbm4b:s8+s3] =	stream.linear.scatter [tilespmem:s5], [sflag:$0x2], $0x4000, $0x38;
	[tilespmem:$0x4080] =	vst v63  }
0x49: {  	s10 =	sor.u32 $0x280, s1;
	_ =	swait.ge [sflag:s4], $0x4000  }
0x4a: {  	s9 =	sshrl.u32 s10, $0x3;
	[sflag:s4] =	ssyncset.done $0x0  }
0x4b: {  	s9 =	sadd.s32 s30, s9;
	[sflag:s4] =	ssyncadd.s32 $0xFFFFC000  }
0x4c: {  	[tilespmem:s3], [sflag:$0x2] =	stream.linear.gather [hbm4b:s9+s3], $0x80, $0x38;
	[tilespmem:$0x4080] =	vst v63  }
0x4d: {  	_ =	swait.ge [sflag:s4], $0x80  }
0x4e: {  	[sflag:s4] =	ssyncset.done $0x0  }
0x4f: {  	[sflag:s4] =	ssyncadd.s32 $0xFFFFFF80  }
0x50: {  	[tilespmem:s5], [sflag:$0x1] =	stream.indirect.gather [hbm4b:s2+s5], $0x80, s3, s5, $0xb8;
	[tilespmem:$0x4080] =	vst v63  }
0x51: {  	_ =	swait.ge [sflag:s6], $0x4000  }
0x52: {  	s10 =	sshll.u32 s10, $0x4;
	[sflag:s6] =	ssyncset.done $0x0  }
0x53: {  	s10 =	sadd.s32 s0, s10;
	[sflag:s6] =	ssyncadd.s32 $0xFFFFC000  }
0x54: {  	[hbm4b:s10+s3] =	stream.linear.scatter [tilespmem:s5], [sflag:$0x2], $0x4000, $0x38;
	[tilespmem:$0x4080] =	vst v63  }
0x55: {  	s12 =	sor.u32 $0x300, s1;
	_ =	swait.ge [sflag:s4], $0x4000  }
0x56: {  	s11 =	sshrl.u32 s12, $0x3;
	[sflag:s4] =	ssyncset.done $0x0  }
0x57: {  	s11 =	sadd.s32 s30, s11;
	[sflag:s4] =	ssyncadd.s32 $0xFFFFC000  }
0x58: {  	[tilespmem:s3], [sflag:$0x2] =	stream.linear.gather [hbm4b:s11+s3], $0x80, $0x38;
	[tilespmem:$0x4080] =	vst v63  }
0x59: {  	_ =	swait.ge [sflag:s4], $0x80  }
0x5a: {  	[sflag:s4] =	ssyncset.done $0x0  }
0x5b: {  	[sflag:s4] =	ssyncadd.s32 $0xFFFFFF80  }
0x5c: {  	[tilespmem:s5], [sflag:$0x1] =	stream.indirect.gather [hbm4b:s2+s5], $0x80, s3, s5, $0xb8;
	[tilespmem:$0x4080] =	vst v63  }
0x5d: {  	_ =	swait.ge [sflag:s6], $0x4000  }
0x5e: {  	s12 =	sshll.u32 s12, $0x4;
	[sflag:s6] =	ssyncset.done $0x0  }
0x5f: {  	s12 =	sadd.s32 s0, s12;
	[sflag:s6] =	ssyncadd.s32 $0xFFFFC000  }
0x60: {  	[hbm4b:s12+s3] =	stream.linear.scatter [tilespmem:s5], [sflag:$0x2], $0x4000, $0x38;
	[tilespmem:$0x4080] =	vst v63  }
0x61: {  	s14 =	sor.u32 $0x380, s1;
	_ =	swait.ge [sflag:s4], $0x4000  }
0x62: {  	s13 =	sshrl.u32 s14, $0x3;
	[sflag:s4] =	ssyncset.done $0x0  }
0x63: {  	s13 =	sadd.s32 s30, s13;
	[sflag:s4] =	ssyncadd.s32 $0xFFFFC000  }
0x64: {  	[tilespmem:s3], [sflag:$0x2] =	stream.linear.gather [hbm4b:s13+s3], $0x80, $0x38;
	[tilespmem:$0x4080] =	vst v63  }
0x65: {  	_ =	swait.ge [sflag:s4], $0x80  }
0x66: {  	[sflag:s4] =	ssyncset.done $0x0  }
0x67: {  	[sflag:s4] =	ssyncadd.s32 $0xFFFFFF80  }
0x68: {  	[tilespmem:s5], [sflag:$0x1] =	stream.indirect.gather [hbm4b:s2+s5], $0x80, s3, s5, $0xb8;
	[tilespmem:$0x4080] =	vst v63  }
0x69: {  	_ =	swait.ge [sflag:s6], $0x4000  }
0x6a: {  	s14 =	sshll.u32 s14, $0x4;
	[sflag:s6] =	ssyncset.done $0x0  }
0x6b: {  	s14 =	sadd.s32 s0, s14;
	[sflag:s6] =	ssyncadd.s32 $0xFFFFC000  }
0x6c: {  	[hbm4b:s14+s3] =	stream.linear.scatter [tilespmem:s5], [sflag:$0x2], $0x4000, $0x38;
	[tilespmem:$0x4080] =	vst v63  }
0x6d: {  	s16 =	sor.u32 $0x400, s1;
	_ =	swait.ge [sflag:s4], $0x4000  }
0x6e: {  	s15 =	sshrl.u32 s16, $0x3;
	[sflag:s4] =	ssyncset.done $0x0  }
0x6f: {  	s15 =	sadd.s32 s30, s15;
	[sflag:s4] =	ssyncadd.s32 $0xFFFFC000  }
0x70: {  	[tilespmem:s3], [sflag:$0x2] =	stream.linear.gather [hbm4b:s15+s3], $0x80, $0x38;
	[tilespmem:$0x4080] =	vst v63  }
0x71: {  	_ =	swait.ge [sflag:s4], $0x80  }
0x72: {  	[sflag:s4] =	ssyncset.done $0x0  }
0x73: {  	[sflag:s4] =	ssyncadd.s32 $0xFFFFFF80  }
0x74: {  	[tilespmem:s5], [sflag:$0x1] =	stream.indirect.gather [hbm4b:s2+s5], $0x80, s3, s5, $0xb8;
	[tilespmem:$0x4080] =	vst v63  }
0x75: {  	_ =	swait.ge [sflag:s6], $0x4000  }
0x76: {  	s16 =	sshll.u32 s16, $0x4;
	[sflag:s6] =	ssyncset.done $0x0  }
0x77: {  	s16 =	sadd.s32 s0, s16;
	[sflag:s6] =	ssyncadd.s32 $0xFFFFC000  }
0x78: {  	[hbm4b:s16+s3] =	stream.linear.scatter [tilespmem:s5], [sflag:$0x2], $0x4000, $0x38;
	[tilespmem:$0x4080] =	vst v63  }
0x79: {  	s18 =	sor.u32 $0x480, s1;
	_ =	swait.ge [sflag:s4], $0x4000  }
0x7a: {  	s17 =	sshrl.u32 s18, $0x3;
	[sflag:s4] =	ssyncset.done $0x0  }
0x7b: {  	s17 =	sadd.s32 s30, s17;
	[sflag:s4] =	ssyncadd.s32 $0xFFFFC000  }
0x7c: {  	[tilespmem:s3], [sflag:$0x2] =	stream.linear.gather [hbm4b:s17+s3], $0x80, $0x38;
	[tilespmem:$0x4080] =	vst v63  }
0x7d: {  	_ =	swait.ge [sflag:s4], $0x80  }
0x7e: {  	[sflag:s4] =	ssyncset.done $0x0  }
0x7f: {  	[sflag:s4] =	ssyncadd.s32 $0xFFFFFF80  }
0x80: {  	[tilespmem:s5], [sflag:$0x1] =	stream.indirect.gather [hbm4b:s2+s5], $0x80, s3, s5, $0xb8;
	[tilespmem:$0x4080] =	vst v63  }
0x81: {  	_ =	swait.ge [sflag:s6], $0x4000  }
0x82: {  	s18 =	sshll.u32 s18, $0x4;
	[sflag:s6] =	ssyncset.done $0x0  }
0x83: {  	s18 =	sadd.s32 s0, s18;
	[sflag:s6] =	ssyncadd.s32 $0xFFFFC000  }
0x84: {  	[hbm4b:s18+s3] =	stream.linear.scatter [tilespmem:s5], [sflag:$0x2], $0x4000, $0x38;
	[tilespmem:$0x4080] =	vst v63  }
0x85: {  	s20 =	sor.u32 $0x500, s1;
	_ =	swait.ge [sflag:s4], $0x4000  }
0x86: {  	s19 =	sshrl.u32 s20, $0x3;
	[sflag:s4] =	ssyncset.done $0x0  }
0x87: {  	s19 =	sadd.s32 s30, s19;
	[sflag:s4] =	ssyncadd.s32 $0xFFFFC000  }
0x88: {  	[tilespmem:s3], [sflag:$0x2] =	stream.linear.gather [hbm4b:s19+s3], $0x80, $0x38;
	[tilespmem:$0x4080] =	vst v63  }
0x89: {  	_ =	swait.ge [sflag:s4], $0x80  }
0x8a: {  	[sflag:s4] =	ssyncset.done $0x0  }
0x8b: {  	[sflag:s4] =	ssyncadd.s32 $0xFFFFFF80  }
0x8c: {  	[tilespmem:s5], [sflag:$0x1] =	stream.indirect.gather [hbm4b:s2+s5], $0x80, s3, s5, $0xb8;
	[tilespmem:$0x4080] =	vst v63  }
0x8d: {  	_ =	swait.ge [sflag:s6], $0x4000  }
0x8e: {  	s20 =	sshll.u32 s20, $0x4;
	[sflag:s6] =	ssyncset.done $0x0  }
0x8f: {  	s20 =	sadd.s32 s0, s20;
	[sflag:s6] =	ssyncadd.s32 $0xFFFFC000  }
0x90: {  	[hbm4b:s20+s3] =	stream.linear.scatter [tilespmem:s5], [sflag:$0x2], $0x4000, $0x38;
	[tilespmem:$0x4080] =	vst v63  }
0x91: {  	s22 =	sor.u32 $0x580, s1;
	_ =	swait.ge [sflag:s4], $0x4000  }
0x92: {  	s21 =	sshrl.u32 s22, $0x3;
	[sflag:s4] =	ssyncset.done $0x0  }
0x93: {  	s21 =	sadd.s32 s30, s21;
	[sflag:s4] =	ssyncadd.s32 $0xFFFFC000  }
0x94: {  	[tilespmem:s3], [sflag:$0x2] =	stream.linear.gather [hbm4b:s21+s3], $0x80, $0x38;
	[tilespmem:$0x4080] =	vst v63  }
0x95: {  	_ =	swait.ge [sflag:s4], $0x80  }
0x96: {  	[sflag:s4] =	ssyncset.done $0x0  }
0x97: {  	[sflag:s4] =	ssyncadd.s32 $0xFFFFFF80  }
0x98: {  	[tilespmem:s5], [sflag:$0x1] =	stream.indirect.gather [hbm4b:s2+s5], $0x80, s3, s5, $0xb8;
	[tilespmem:$0x4080] =	vst v63  }
0x99: {  	_ =	swait.ge [sflag:s6], $0x4000  }
0x9a: {  	s22 =	sshll.u32 s22, $0x4;
	[sflag:s6] =	ssyncset.done $0x0  }
0x9b: {  	s22 =	sadd.s32 s0, s22;
	[sflag:s6] =	ssyncadd.s32 $0xFFFFC000  }
0x9c: {  	[hbm4b:s22+s3] =	stream.linear.scatter [tilespmem:s5], [sflag:$0x2], $0x4000, $0x38;
	[tilespmem:$0x4080] =	vst v63  }
0x9d: {  	s24 =	sor.u32 $0x600, s1;
	_ =	swait.ge [sflag:s4], $0x4000  }
0x9e: {  	s23 =	sshrl.u32 s24, $0x3;
	[sflag:s4] =	ssyncset.done $0x0  }
0x9f: {  	s23 =	sadd.s32 s30, s23;
	[sflag:s4] =	ssyncadd.s32 $0xFFFFC000  }
0xa0: {  	[tilespmem:s3], [sflag:$0x2] =	stream.linear.gather [hbm4b:s23+s3], $0x80, $0x38;
	[tilespmem:$0x4080] =	vst v63  }
0xa1: {  	_ =	swait.ge [sflag:s4], $0x80  }
0xa2: {  	[sflag:s4] =	ssyncset.done $0x0  }
0xa3: {  	[sflag:s4] =	ssyncadd.s32 $0xFFFFFF80  }
0xa4: {  	[tilespmem:s5], [sflag:$0x1] =	stream.indirect.gather [hbm4b:s2+s5], $0x80, s3, s5, $0xb8;
	[tilespmem:$0x4080] =	vst v63  }
0xa5: {  	_ =	swait.ge [sflag:s6], $0x4000  }
0xa6: {  	s24 =	sshll.u32 s24, $0x4;
	[sflag:s6] =	ssyncset.done $0x0  }
0xa7: {  	s24 =	sadd.s32 s0, s24;
	[sflag:s6] =	ssyncadd.s32 $0xFFFFC000  }
0xa8: {  	[hbm4b:s24+s3] =	stream.linear.scatter [tilespmem:s5], [sflag:$0x2], $0x4000, $0x38;
	[tilespmem:$0x4080] =	vst v63  }
0xa9: {  	s26 =	sor.u32 $0x680, s1;
	_ =	swait.ge [sflag:s4], $0x4000  }
0xaa: {  	s25 =	sshrl.u32 s26, $0x3;
	[sflag:s4] =	ssyncset.done $0x0  }
0xab: {  	s25 =	sadd.s32 s30, s25;
	[sflag:s4] =	ssyncadd.s32 $0xFFFFC000  }
0xac: {  	[tilespmem:s3], [sflag:$0x2] =	stream.linear.gather [hbm4b:s25+s3], $0x80, $0x38;
	[tilespmem:$0x4080] =	vst v63  }
0xad: {  	_ =	swait.ge [sflag:s4], $0x80  }
0xae: {  	[sflag:s4] =	ssyncset.done $0x0  }
0xaf: {  	[sflag:s4] =	ssyncadd.s32 $0xFFFFFF80  }
0xb0: {  	[tilespmem:s5], [sflag:$0x1] =	stream.indirect.gather [hbm4b:s2+s5], $0x80, s3, s5, $0xb8;
	[tilespmem:$0x4080] =	vst v63  }
0xb1: {  	_ =	swait.ge [sflag:s6], $0x4000  }
0xb2: {  	s26 =	sshll.u32 s26, $0x4;
	[sflag:s6] =	ssyncset.done $0x0  }
0xb3: {  	s26 =	sadd.s32 s0, s26;
	[dreg:$0xb] =	wrdreg s0;
	[sflag:s6] =	ssyncadd.s32 $0xFFFFC000  }
0xb4: {  	[hbm4b:s26+s3] =	stream.linear.scatter [tilespmem:s5], [sflag:$0x2], $0x4000, $0x38;
	[tilespmem:$0x4080] =	vst v63  }
0xb5: {  	s29 =	sor.u32 $0x700, s1;
	_ =	swait.ge [sflag:s4], $0x4000  }
0xb6: {  	s28 =	sshrl.u32 s29, $0x3;
	[sflag:s4] =	ssyncset.done $0x0  }
0xb7: {  	s28 =	sadd.s32 s30, s28;
	[sflag:s4] =	ssyncadd.s32 $0xFFFFC000  }
0xb8: {  	[tilespmem:s3], [sflag:$0x2] =	stream.linear.gather [hbm4b:s28+s3], $0x80, $0x38;
	[tilespmem:$0x4080] =	vst v63  }
0xb9: {  	_ =	swait.ge [sflag:s4], $0x80  }
0xba: {  	[sflag:s4] =	ssyncset.done $0x0  }
0xbb: {  	[sflag:s4] =	ssyncadd.s32 $0xFFFFFF80  }
0xbc: {  	[tilespmem:s5], [sflag:$0x1] =	stream.indirect.gather [hbm4b:s2+s5], $0x80, s3, s5, $0xb8;
	[tilespmem:$0x4080] =	vst v63  }
0xbd: {  	_ =	swait.ge [sflag:s6], $0x4000  }
0xbe: {  	s29 =	sshll.u32 s29, $0x4;
	[sflag:s6] =	ssyncset.done $0x0  }
0xbf: {  	s29 =	sadd.s32 s0, s29;
	s1 =	sor.u32 $0x780, s1;
	[sflag:s6] =	ssyncadd.s32 $0xFFFFC000  }
0xc0: {  	[hbm4b:s29+s3] =	stream.linear.scatter [tilespmem:s5], [sflag:$0x2], $0x4000, $0x38;
	[tilespmem:$0x4080] =	vst v63  }
0xc1: {  	s0 =	sshrl.u32 s1, $0x3;
	_ =	swait.ge [sflag:s4], $0x4000  }
0xc2: {  	s30 =	sadd.s32 s30, s0;
	s0 =	ssub.s32 $0x2, s31;
	[sflag:s4] =	ssyncset.done $0x0  }
0xc3: {  	s31 =	sshrl.u32 s0, $0x1;
	[sflag:s4] =	ssyncadd.s32 $0xFFFFC000  }
0xc4: {  	[tilespmem:s3], [sflag:$0x2] =	stream.linear.gather [hbm4b:s30+s3], $0x80, $0x38;
	[tilespmem:$0x4080] =	vst v63  }
0xc5: {  	s0 =	ssub.s32 s0, s31;
	_ =	swait.ge [sflag:s4], $0x80  }
0xc6: {  	s0 =	smax.u32 s0, $0x1;
	[sflag:s4] =	ssyncset.done $0x0  }
0xc7: {  	p0 =	sne.s32 s0, $0x1;
	[sflag:s4] =	ssyncadd.s32 $0xFFFFFF80  }
0xc8: {  	[tilespmem:s5], [sflag:$0x1] =	stream.indirect.gather [hbm4b:s2+s5], $0x80, s3, s5, $0xb8;
	[tilespmem:$0x4080] =	vst v63  }
.Ltmp0:
0xc9: {  	_ =	swait.ge [sflag:s6], $0x4000;
	(pc) =	sbr.rel @!p0 .LBB2_2-.Ltmp0, $4  }
0xca: {  	s1 =	sshll.u32 s1, $0x4;
	[sflag:s6] =	ssyncset.done $0x0;
	s31 =	rddreg [dreg:$0xb]  }
0xcb: {  	s31 =	sadd.s32 s31, s1;
	[sflag:s6] =	ssyncadd.s32 $0xFFFFC000  }
0xcc: {  	[hbm4b:s31+s3] =	stream.linear.scatter [tilespmem:s5], [sflag:$0x2], $0x4000, $0x38;
	[tilespmem:$0x4080] =	vst v63  }
0xcd: {  	s0 =	sadd.s32 $0xFFFFFFFF, s0;
	_ =	swait.ge [sflag:s4], $0x4000  }
.LBB2_1:
0xce: {  	[sflag:s4] =	ssyncset.done $0x0  }
0xcf: {  	s1 =	rddreg [dreg:$0x3];
	[sflag:s4] =	ssyncadd.s32 $0xFFFFC000  }
0xd0: {  	[tilespmem:s3], [sflag:$0x2] =	stream.linear.gather [hbm4b:s1+s3], $0x80, $0x38;
	[tilespmem:$0x4080] =	vst v63  }
0xd1: {  	_ =	swait.ge [sflag:s4], $0x80  }
0xd2: {  	[sflag:s4] =	ssyncset.done $0x0  }
0xd3: {  	[sflag:s4] =	ssyncadd.s32 $0xFFFFFF80  }
0xd4: {  	[tilespmem:s5], [sflag:$0x1] =	stream.indirect.gather [hbm4b:s2+s5], $0x80, s3, s5, $0xb8;
	[tilespmem:$0x4080] =	vst v63  }
0xd5: {  	_ =	swait.ge [sflag:s6], $0x4000  }
0xd6: {  	[sflag:s6] =	ssyncset.done $0x0  }
0xd7: {  	s1 =	rddreg [dreg:$0x4];
	[sflag:s6] =	ssyncadd.s32 $0xFFFFC000  }
0xd8: {  	[hbm4b:s1+s3] =	stream.linear.scatter [tilespmem:s5], [sflag:$0x2], $0x4000, $0x38;
	[tilespmem:$0x4080] =	vst v63  }
0xd9: {  	_ =	swait.ge [sflag:s4], $0x4000  }
0xda: {  	[sflag:s4] =	ssyncset.done $0x0  }
0xdb: {  	s1 =	rddreg [dreg:$0x5];
	[sflag:s4] =	ssyncadd.s32 $0xFFFFC000  }
0xdc: {  	[tilespmem:s3], [sflag:$0x2] =	stream.linear.gather [hbm4b:s1+s3], $0x80, $0x38;
	[tilespmem:$0x4080] =	vst v63  }
0xdd: {  	_ =	swait.ge [sflag:s4], $0x80  }
0xde: {  	[sflag:s4] =	ssyncset.done $0x0  }
0xdf: {  	[sflag:s4] =	ssyncadd.s32 $0xFFFFFF80  }
0xe0: {  	[tilespmem:s5], [sflag:$0x1] =	stream.indirect.gather [hbm4b:s2+s5], $0x80, s3, s5, $0xb8;
	[tilespmem:$0x4080] =	vst v63  }
0xe1: {  	_ =	swait.ge [sflag:s6], $0x4000  }
0xe2: {  	[sflag:s6] =	ssyncset.done $0x0  }
0xe3: {  	s1 =	rddreg [dreg:$0x6];
	[sflag:s6] =	ssyncadd.s32 $0xFFFFC000  }
0xe4: {  	[hbm4b:s1+s3] =	stream.linear.scatter [tilespmem:s5], [sflag:$0x2], $0x4000, $0x38;
	[tilespmem:$0x4080] =	vst v63  }
0xe5: {  	_ =	swait.ge [sflag:s4], $0x4000  }
0xe6: {  	[sflag:s4] =	ssyncset.done $0x0  }
0xe7: {  	s1 =	rddreg [dreg:$0x7];
	[sflag:s4] =	ssyncadd.s32 $0xFFFFC000  }
0xe8: {  	[tilespmem:s3], [sflag:$0x2] =	stream.linear.gather [hbm4b:s1+s3], $0x80, $0x38;
	[tilespmem:$0x4080] =	vst v63  }
0xe9: {  	_ =	swait.ge [sflag:s4], $0x80  }
0xea: {  	[sflag:s4] =	ssyncset.done $0x0  }
0xeb: {  	[sflag:s4] =	ssyncadd.s32 $0xFFFFFF80  }
0xec: {  	[tilespmem:s5], [sflag:$0x1] =	stream.indirect.gather [hbm4b:s2+s5], $0x80, s3, s5, $0xb8;
	[tilespmem:$0x4080] =	vst v63  }
0xed: {  	_ =	swait.ge [sflag:s6], $0x4000  }
0xee: {  	[sflag:s6] =	ssyncset.done $0x0  }
0xef: {  	s1 =	rddreg [dreg:$0x8];
	[sflag:s6] =	ssyncadd.s32 $0xFFFFC000  }
0xf0: {  	[hbm4b:s1+s3] =	stream.linear.scatter [tilespmem:s5], [sflag:$0x2], $0x4000, $0x38;
	[tilespmem:$0x4080] =	vst v63  }
0xf1: {  	_ =	swait.ge [sflag:s4], $0x4000  }
0xf2: {  	[sflag:s4] =	ssyncset.done $0x0  }
0xf3: {  	s1 =	rddreg [dreg:$0x9];
	[sflag:s4] =	ssyncadd.s32 $0xFFFFC000  }
0xf4: {  	[tilespmem:s3], [sflag:$0x2] =	stream.linear.gather [hbm4b:s1+s3], $0x80, $0x38;
	[tilespmem:$0x4080] =	vst v63  }
0xf5: {  	_ =	swait.ge [sflag:s4], $0x80  }
0xf6: {  	[sflag:s4] =	ssyncset.done $0x0  }
0xf7: {  	[sflag:s4] =	ssyncadd.s32 $0xFFFFFF80  }
0xf8: {  	[tilespmem:s5], [sflag:$0x1] =	stream.indirect.gather [hbm4b:s2+s5], $0x80, s3, s5, $0xb8;
	[tilespmem:$0x4080] =	vst v63  }
0xf9: {  	_ =	swait.ge [sflag:s6], $0x4000  }
0xfa: {  	[sflag:s6] =	ssyncset.done $0x0  }
0xfb: {  	s1 =	rddreg [dreg:$0xa];
	[sflag:s6] =	ssyncadd.s32 $0xFFFFC000  }
0xfc: {  	[hbm4b:s1+s3] =	stream.linear.scatter [tilespmem:s5], [sflag:$0x2], $0x4000, $0x38;
	[tilespmem:$0x4080] =	vst v63  }
0xfd: {  	_ =	swait.ge [sflag:s4], $0x4000  }
0xfe: {  	[sflag:s4] =	ssyncset.done $0x0  }
0xff: {  	[sflag:s4] =	ssyncadd.s32 $0xFFFFC000  }
0x100: {  	[tilespmem:s3], [sflag:$0x2] =	stream.linear.gather [hbm4b:s7+s3], $0x80, $0x38;
	[tilespmem:$0x4080] =	vst v63  }
0x101: {  	_ =	swait.ge [sflag:s4], $0x80  }
0x102: {  	[sflag:s4] =	ssyncset.done $0x0  }
0x103: {  	[sflag:s4] =	ssyncadd.s32 $0xFFFFFF80  }
0x104: {  	[tilespmem:s5], [sflag:$0x1] =	stream.indirect.gather [hbm4b:s2+s5], $0x80, s3, s5, $0xb8;
	[tilespmem:$0x4080] =	vst v63  }
0x105: {  	_ =	swait.ge [sflag:s6], $0x4000  }
0x106: {  	[sflag:s6] =	ssyncset.done $0x0  }
0x107: {  	[sflag:s6] =	ssyncadd.s32 $0xFFFFC000  }
0x108: {  	[hbm4b:s8+s3] =	stream.linear.scatter [tilespmem:s5], [sflag:$0x2], $0x4000, $0x38;
	[tilespmem:$0x4080] =	vst v63  }
0x109: {  	_ =	swait.ge [sflag:s4], $0x4000  }
0x10a: {  	[sflag:s4] =	ssyncset.done $0x0  }
0x10b: {  	[sflag:s4] =	ssyncadd.s32 $0xFFFFC000  }
0x10c: {  	[tilespmem:s3], [sflag:$0x2] =	stream.linear.gather [hbm4b:s9+s3], $0x80, $0x38;
	[tilespmem:$0x4080] =	vst v63  }
0x10d: {  	_ =	swait.ge [sflag:s4], $0x80  }
0x10e: {  	[sflag:s4] =	ssyncset.done $0x0  }
0x10f: {  	[sflag:s4] =	ssyncadd.s32 $0xFFFFFF80  }
0x110: {  	[tilespmem:s5], [sflag:$0x1] =	stream.indirect.gather [hbm4b:s2+s5], $0x80, s3, s5, $0xb8;
	[tilespmem:$0x4080] =	vst v63  }
0x111: {  	_ =	swait.ge [sflag:s6], $0x4000  }
0x112: {  	[sflag:s6] =	ssyncset.done $0x0  }
0x113: {  	[sflag:s6] =	ssyncadd.s32 $0xFFFFC000  }
0x114: {  	[hbm4b:s10+s3] =	stream.linear.scatter [tilespmem:s5], [sflag:$0x2], $0x4000, $0x38;
	[tilespmem:$0x4080] =	vst v63  }
0x115: {  	_ =	swait.ge [sflag:s4], $0x4000  }
0x116: {  	[sflag:s4] =	ssyncset.done $0x0  }
0x117: {  	[sflag:s4] =	ssyncadd.s32 $0xFFFFC000  }
0x118: {  	[tilespmem:s3], [sflag:$0x2] =	stream.linear.gather [hbm4b:s11+s3], $0x80, $0x38;
	[tilespmem:$0x4080] =	vst v63  }
0x119: {  	_ =	swait.ge [sflag:s4], $0x80  }
0x11a: {  	[sflag:s4] =	ssyncset.done $0x0  }
0x11b: {  	[sflag:s4] =	ssyncadd.s32 $0xFFFFFF80  }
0x11c: {  	[tilespmem:s5], [sflag:$0x1] =	stream.indirect.gather [hbm4b:s2+s5], $0x80, s3, s5, $0xb8;
	[tilespmem:$0x4080] =	vst v63  }
0x11d: {  	_ =	swait.ge [sflag:s6], $0x4000  }
0x11e: {  	[sflag:s6] =	ssyncset.done $0x0  }
0x11f: {  	[sflag:s6] =	ssyncadd.s32 $0xFFFFC000  }
0x120: {  	[hbm4b:s12+s3] =	stream.linear.scatter [tilespmem:s5], [sflag:$0x2], $0x4000, $0x38;
	[tilespmem:$0x4080] =	vst v63  }
0x121: {  	_ =	swait.ge [sflag:s4], $0x4000  }
0x122: {  	[sflag:s4] =	ssyncset.done $0x0  }
0x123: {  	[sflag:s4] =	ssyncadd.s32 $0xFFFFC000  }
0x124: {  	[tilespmem:s3], [sflag:$0x2] =	stream.linear.gather [hbm4b:s13+s3], $0x80, $0x38;
	[tilespmem:$0x4080] =	vst v63  }
0x125: {  	_ =	swait.ge [sflag:s4], $0x80  }
0x126: {  	[sflag:s4] =	ssyncset.done $0x0  }
0x127: {  	[sflag:s4] =	ssyncadd.s32 $0xFFFFFF80  }
0x128: {  	[tilespmem:s5], [sflag:$0x1] =	stream.indirect.gather [hbm4b:s2+s5], $0x80, s3, s5, $0xb8;
	[tilespmem:$0x4080] =	vst v63  }
0x129: {  	_ =	swait.ge [sflag:s6], $0x4000  }
0x12a: {  	[sflag:s6] =	ssyncset.done $0x0  }
0x12b: {  	[sflag:s6] =	ssyncadd.s32 $0xFFFFC000  }
0x12c: {  	[hbm4b:s14+s3] =	stream.linear.scatter [tilespmem:s5], [sflag:$0x2], $0x4000, $0x38;
	[tilespmem:$0x4080] =	vst v63  }
0x12d: {  	_ =	swait.ge [sflag:s4], $0x4000  }
0x12e: {  	[sflag:s4] =	ssyncset.done $0x0  }
0x12f: {  	[sflag:s4] =	ssyncadd.s32 $0xFFFFC000  }
0x130: {  	[tilespmem:s3], [sflag:$0x2] =	stream.linear.gather [hbm4b:s15+s3], $0x80, $0x38;
	[tilespmem:$0x4080] =	vst v63  }
0x131: {  	_ =	swait.ge [sflag:s4], $0x80  }
0x132: {  	[sflag:s4] =	ssyncset.done $0x0  }
0x133: {  	[sflag:s4] =	ssyncadd.s32 $0xFFFFFF80  }
0x134: {  	[tilespmem:s5], [sflag:$0x1] =	stream.indirect.gather [hbm4b:s2+s5], $0x80, s3, s5, $0xb8;
	[tilespmem:$0x4080] =	vst v63  }
0x135: {  	_ =	swait.ge [sflag:s6], $0x4000  }
0x136: {  	[sflag:s6] =	ssyncset.done $0x0  }
0x137: {  	[sflag:s6] =	ssyncadd.s32 $0xFFFFC000  }
0x138: {  	[hbm4b:s16+s3] =	stream.linear.scatter [tilespmem:s5], [sflag:$0x2], $0x4000, $0x38;
	[tilespmem:$0x4080] =	vst v63  }
0x139: {  	_ =	swait.ge [sflag:s4], $0x4000  }
0x13a: {  	[sflag:s4] =	ssyncset.done $0x0  }
0x13b: {  	[sflag:s4] =	ssyncadd.s32 $0xFFFFC000  }
0x13c: {  	[tilespmem:s3], [sflag:$0x2] =	stream.linear.gather [hbm4b:s17+s3], $0x80, $0x38;
	[tilespmem:$0x4080] =	vst v63  }
0x13d: {  	_ =	swait.ge [sflag:s4], $0x80  }
0x13e: {  	[sflag:s4] =	ssyncset.done $0x0  }
0x13f: {  	[sflag:s4] =	ssyncadd.s32 $0xFFFFFF80  }
0x140: {  	[tilespmem:s5], [sflag:$0x1] =	stream.indirect.gather [hbm4b:s2+s5], $0x80, s3, s5, $0xb8;
	[tilespmem:$0x4080] =	vst v63  }
0x141: {  	_ =	swait.ge [sflag:s6], $0x4000  }
0x142: {  	[sflag:s6] =	ssyncset.done $0x0  }
0x143: {  	[sflag:s6] =	ssyncadd.s32 $0xFFFFC000  }
0x144: {  	[hbm4b:s18+s3] =	stream.linear.scatter [tilespmem:s5], [sflag:$0x2], $0x4000, $0x38;
	[tilespmem:$0x4080] =	vst v63  }
0x145: {  	_ =	swait.ge [sflag:s4], $0x4000  }
0x146: {  	[sflag:s4] =	ssyncset.done $0x0  }
0x147: {  	[sflag:s4] =	ssyncadd.s32 $0xFFFFC000  }
0x148: {  	[tilespmem:s3], [sflag:$0x2] =	stream.linear.gather [hbm4b:s19+s3], $0x80, $0x38;
	[tilespmem:$0x4080] =	vst v63  }
0x149: {  	_ =	swait.ge [sflag:s4], $0x80  }
0x14a: {  	[sflag:s4] =	ssyncset.done $0x0  }
0x14b: {  	[sflag:s4] =	ssyncadd.s32 $0xFFFFFF80  }
0x14c: {  	[tilespmem:s5], [sflag:$0x1] =	stream.indirect.gather [hbm4b:s2+s5], $0x80, s3, s5, $0xb8;
	[tilespmem:$0x4080] =	vst v63  }
0x14d: {  	_ =	swait.ge [sflag:s6], $0x4000  }
0x14e: {  	[sflag:s6] =	ssyncset.done $0x0  }
0x14f: {  	[sflag:s6] =	ssyncadd.s32 $0xFFFFC000  }
0x150: {  	[hbm4b:s20+s3] =	stream.linear.scatter [tilespmem:s5], [sflag:$0x2], $0x4000, $0x38;
	[tilespmem:$0x4080] =	vst v63  }
0x151: {  	_ =	swait.ge [sflag:s4], $0x4000  }
0x152: {  	[sflag:s4] =	ssyncset.done $0x0  }
0x153: {  	[sflag:s4] =	ssyncadd.s32 $0xFFFFC000  }
0x154: {  	[tilespmem:s3], [sflag:$0x2] =	stream.linear.gather [hbm4b:s21+s3], $0x80, $0x38;
	[tilespmem:$0x4080] =	vst v63  }
0x155: {  	_ =	swait.ge [sflag:s4], $0x80  }
0x156: {  	[sflag:s4] =	ssyncset.done $0x0  }
0x157: {  	[sflag:s4] =	ssyncadd.s32 $0xFFFFFF80  }
0x158: {  	[tilespmem:s5], [sflag:$0x1] =	stream.indirect.gather [hbm4b:s2+s5], $0x80, s3, s5, $0xb8;
	[tilespmem:$0x4080] =	vst v63  }
0x159: {  	_ =	swait.ge [sflag:s6], $0x4000  }
0x15a: {  	[sflag:s6] =	ssyncset.done $0x0  }
0x15b: {  	[sflag:s6] =	ssyncadd.s32 $0xFFFFC000  }
0x15c: {  	[hbm4b:s22+s3] =	stream.linear.scatter [tilespmem:s5], [sflag:$0x2], $0x4000, $0x38;
	[tilespmem:$0x4080] =	vst v63  }
0x15d: {  	_ =	swait.ge [sflag:s4], $0x4000  }
0x15e: {  	[sflag:s4] =	ssyncset.done $0x0  }
0x15f: {  	[sflag:s4] =	ssyncadd.s32 $0xFFFFC000  }
0x160: {  	[tilespmem:s3], [sflag:$0x2] =	stream.linear.gather [hbm4b:s23+s3], $0x80, $0x38;
	[tilespmem:$0x4080] =	vst v63  }
0x161: {  	_ =	swait.ge [sflag:s4], $0x80  }
0x162: {  	[sflag:s4] =	ssyncset.done $0x0  }
0x163: {  	[sflag:s4] =	ssyncadd.s32 $0xFFFFFF80  }
0x164: {  	[tilespmem:s5], [sflag:$0x1] =	stream.indirect.gather [hbm4b:s2+s5], $0x80, s3, s5, $0xb8;
	[tilespmem:$0x4080] =	vst v63  }
0x165: {  	_ =	swait.ge [sflag:s6], $0x4000  }
0x166: {  	[sflag:s6] =	ssyncset.done $0x0  }
0x167: {  	[sflag:s6] =	ssyncadd.s32 $0xFFFFC000  }
0x168: {  	[hbm4b:s24+s3] =	stream.linear.scatter [tilespmem:s5], [sflag:$0x2], $0x4000, $0x38;
	[tilespmem:$0x4080] =	vst v63  }
0x169: {  	_ =	swait.ge [sflag:s4], $0x4000  }
0x16a: {  	[sflag:s4] =	ssyncset.done $0x0  }
0x16b: {  	[sflag:s4] =	ssyncadd.s32 $0xFFFFC000  }
0x16c: {  	[tilespmem:s3], [sflag:$0x2] =	stream.linear.gather [hbm4b:s25+s3], $0x80, $0x38;
	[tilespmem:$0x4080] =	vst v63  }
0x16d: {  	_ =	swait.ge [sflag:s4], $0x80  }
0x16e: {  	[sflag:s4] =	ssyncset.done $0x0  }
0x16f: {  	[sflag:s4] =	ssyncadd.s32 $0xFFFFFF80  }
0x170: {  	[tilespmem:s5], [sflag:$0x1] =	stream.indirect.gather [hbm4b:s2+s5], $0x80, s3, s5, $0xb8;
	[tilespmem:$0x4080] =	vst v63  }
0x171: {  	_ =	swait.ge [sflag:s6], $0x4000  }
0x172: {  	[sflag:s6] =	ssyncset.done $0x0  }
0x173: {  	[sflag:s6] =	ssyncadd.s32 $0xFFFFC000  }
0x174: {  	[hbm4b:s26+s3] =	stream.linear.scatter [tilespmem:s5], [sflag:$0x2], $0x4000, $0x38;
	[tilespmem:$0x4080] =	vst v63  }
0x175: {  	_ =	swait.ge [sflag:s4], $0x4000  }
0x176: {  	[sflag:s4] =	ssyncset.done $0x0  }
0x177: {  	[sflag:s4] =	ssyncadd.s32 $0xFFFFC000  }
0x178: {  	[tilespmem:s3], [sflag:$0x2] =	stream.linear.gather [hbm4b:s28+s3], $0x80, $0x38;
	[tilespmem:$0x4080] =	vst v63  }
0x179: {  	_ =	swait.ge [sflag:s4], $0x80  }
0x17a: {  	[sflag:s4] =	ssyncset.done $0x0  }
0x17b: {  	[sflag:s4] =	ssyncadd.s32 $0xFFFFFF80  }
0x17c: {  	[tilespmem:s5], [sflag:$0x1] =	stream.indirect.gather [hbm4b:s2+s5], $0x80, s3, s5, $0xb8;
	[tilespmem:$0x4080] =	vst v63  }
0x17d: {  	_ =	swait.ge [sflag:s6], $0x4000  }
0x17e: {  	[sflag:s6] =	ssyncset.done $0x0  }
0x17f: {  	[sflag:s6] =	ssyncadd.s32 $0xFFFFC000  }
0x180: {  	[hbm4b:s29+s3] =	stream.linear.scatter [tilespmem:s5], [sflag:$0x2], $0x4000, $0x38;
	[tilespmem:$0x4080] =	vst v63  }
0x181: {  	_ =	swait.ge [sflag:s4], $0x4000  }
0x182: {  	[sflag:s4] =	ssyncset.done $0x0  }
0x183: {  	[sflag:s4] =	ssyncadd.s32 $0xFFFFC000  }
0x184: {  	[tilespmem:s3], [sflag:$0x2] =	stream.linear.gather [hbm4b:s30+s3], $0x80, $0x38;
	[tilespmem:$0x4080] =	vst v63  }
0x185: {  	_ =	swait.ge [sflag:s4], $0x80  }
0x186: {  	[sflag:s4] =	ssyncset.done $0x0  }
0x187: {  	p0 =	sne.s32 s0, $0x1;
	[sflag:s4] =	ssyncadd.s32 $0xFFFFFF80  }
0x188: {  	[tilespmem:s5], [sflag:$0x1] =	stream.indirect.gather [hbm4b:s2+s5], $0x80, s3, s5, $0xb8;
	[tilespmem:$0x4080] =	vst v63  }
.Ltmp1:
0x189: {  	_ =	swait.ge [sflag:s6], $0x4000;
	(pc) =	sbr.rel @p0 .LBB2_1-.Ltmp1, $4  }
0x18a: {  	[sflag:s6] =	ssyncset.done $0x0  }
0x18b: {  	[sflag:s6] =	ssyncadd.s32 $0xFFFFC000  }
0x18c: {  	[hbm4b:s31+s3] =	stream.linear.scatter [tilespmem:s5], [sflag:$0x2], $0x4000, $0x38;
	[tilespmem:$0x4080] =	vst v63  }
0x18d: {  	s0 =	sadd.s32 $0xFFFFFFFF, s0;
	_ =	swait.ge [sflag:s4], $0x4000  }
.LBB2_2:
0x18e: {  	[sflag:s4] =	ssyncset.done $0x0  }
0x18f: {  	[sflag:s4] =	ssyncadd.s32 $0xFFFFC000  }
0x190: {  	_ =	sfence.sel $0x180000  }
0x191: {  	[bflag:$0x0] =	sbarrier.arrive $0xFFFF  }
0x192: {  	_ =	strace $0x90000047  }
0x193: {  	s0 =	stileid.u32;
	[bflag:$0x2] =	sbarrier.arrive $0xFFFF  }
0x194: {  	p0 =	sne.s32 s0, $0x0;
	s0 =	rddreg [dreg:$0x2]  }
0x195: {  	s0 =	sadd.s32 @!p0 $0x100000, s0  }
0x196: {  	[sflag:s0] =	ssyncadd.tile.s32 @!p0 $0x1;
	_ =	shalt  }
.Lfunc_end2:
_tile_overlayer_lowered:
.L_overlay_start_2:
0x197: {  	(tag) =	ssettag $0x2  }
0x198: {  	s0 =	rddreg [dreg:$0x0];
	s2 =	stileid.u32  }
0x199: {  	s1 =	rddreg [dreg:$0x1];
	p0 =	sne.s32 s2, $0x0  }
0x19a: {  	s3 =	rddreg [dreg:$0x2];
	[bflag:$0x3] =	sbarrier.arrive $0xFFFF;
	s2 =	simm.s32 @!p0 $0x1C02  }
0x19b: {  	[timem:s3], [sflag:s2] =	dma.local @!p0 [hbm:s0], s1  }
0x19c: {  	s0 =	simm.s32 @!p0 $0x2  }
0x19d: {  	_ =	swait.ge @!p0 [sflag:s0], s1  }
0x19e: {  	s1 =	ssub.s32 @!p0 $0x0, s1;
	[sflag:s0] =	ssyncset.done @!p0 $0x0  }
0x19f: {  	[sflag:s0] =	ssyncadd.s32 @!p0 s1  }
0x1a0: {  	[bflag:$0x3] =	sbarrier.arrive $0xFFFF  }
0x1a1: {  	_ =	shalt  }

</sc_bundles>
